<compile_context>
chip_gen: v7x
topology: tpu7x:2x2x1
jax: 0.10.2.dev20260603
libtpu: 0.0.44.dev20260713+nightly
codegen_flags: <defaults>
</compile_context>

<pallas_src>
import jax
import jax.numpy as jnp
from jax import lax
from jax.experimental import pallas as pl
from jax.experimental.pallas import tpu as pltpu
from jax.experimental.pallas import tpu_sc as plsc

B = 2
C = 32
G = 4
CG = C // G
H = 512
W = 512

BY = 16
WY = 40
NYB = H // BY
NTASK = B * NYB * G
NWORK = 32
TPW = NTASK // NWORK
NCH = WY // 8
PLANE = BY * W
EPS = 1e-7


def _floor_f32(x):
    t = x.astype(jnp.int32)
    tf = t.astype(jnp.float32)
    over = tf > x
    return jnp.where(over, t - 1, t), jnp.where(over, tf - 1.0, tf)


def _splat_body(frame_hbm, flow_hbm, imp_hbm, out_hbm,
                acc, src, flw, impw, fsem, psem, osem):
    nc = lax.axis_size("c")
    wid = lax.axis_index("s") * nc + lax.axis_index("c")
    lanes = lax.iota(jnp.int32, 16)
    zero16 = jnp.zeros((16,), jnp.float32)

    def task_body(i, _):
        strip_id = wid + NWORK * (i // G)
        b = strip_id // NYB
        y0 = (strip_id % NYB) * BY
        grp = lax.rem(i, G)
        ys = pl.multiple_of(jnp.clip(y0 - 16, 0, H - WY), 8)
        lo = jnp.maximum(0, y0 - 9) - ys
        hi = jnp.minimum(H, y0 + BY + 8) - ys

        @plsc.parallel_loop(0, (CG + 1) * PLANE // 16, unroll=4)
        def _(k):
            acc[pl.ds(k * 16, 16)] = zero16

        def issue_pf(ck):
            yr = pl.multiple_of(ys + ck * 8, 8)
            par = lax.rem(ck, 2)
            return pltpu.async_copy(
                flow_hbm.at[b, :, pl.ds(yr, 8), :], flw.at[par], psem)

        issue_pf(0)

        def chunk_body(ck, _):
            yr = pl.multiple_of(ys + ck * 8, 8)
            par = lax.rem(ck, 2)
            rlo = jnp.clip(lo - ck * 8, 0, 8)
            rhi = jnp.clip(hi - ck * 8, 0, 8)

            frame_src = frame_hbm.at[b, pl.ds(grp * CG, CG), pl.ds(yr, 8), :]

            @pl.when(rhi > rlo)
            def _():
                pltpu.async_copy(frame_src, src, fsem)

            pltpu.make_async_copy(
                flow_hbm.at[b, :, pl.ds(yr, 8), :], flw.at[par],
                psem).wait()

            @pl.when(ck + 1 < NCH)
            def _():
                issue_pf(ck + 1)

            @pl.when(rhi > rlo)
            def _():
                pltpu.sync_copy(imp_hbm.at[b, 0, pl.ds(yr, 8), :], impw)
                pltpu.make_async_copy(frame_src, src, fsem).wait()

                def row_body(rr, _):
                    gy = (yr + rr).astype(jnp.float32)

                    def mm_body(vc, mm):
                        fv = flw[par, 1, rr, pl.ds(vc * 16, 16)]
                        return (jnp.maximum(mm[0], fv),
                                jnp.minimum(mm[1], fv))

                    big = jnp.float32(1e30)
                    mx, mn = lax.fori_loop(
                        0, W // 16, mm_body,
                        (jnp.full((16,), -big), jnp.full((16,), big)))
                    fymax = jnp.max(mx)
                    fymin = jnp.min(mn)
                    hit = ((gy + fymax >= (y0 - 1).astype(jnp.float32))
                           & (gy + fymin < (y0 + BY).astype(jnp.float32)))

                    def vec(vc):
                        xw = pl.ds(vc * 16, 16)
                        gx = (vc * 16 + lanes).astype(jnp.float32)
                        fltx = flw[par, 0, rr, xw] + gx
                        flty = flw[par, 1, rr, xw] + gy
                        ix0, x0f = _floor_f32(fltx)
                        iy0, y0f = _floor_f32(flty)
                        fx = fltx - x0f
                        fy = flty - y0f
                        wx0 = 1.0 - fx
                        wy0 = 1.0 - fy
                        ty0 = iy0 - y0
                        ty1 = ty0 + 1
                        my0 = plsc.bitcast(ty0, jnp.uint32) < BY
                        my1 = plsc.bitcast(ty1, jnp.uint32) < BY
                        mx0 = plsc.bitcast(ix0, jnp.uint32) < W
                        mx1 = plsc.bitcast(ix0 + 1, jnp.uint32) < W
                        m00 = mx0 & my0
                        m10 = mx1 & my0
                        m01 = mx0 & my1
                        m11 = mx1 & my1
                        impv = jnp.exp(impw[rr, xw])
                        w00 = wx0 * wy0 * impv
                        w10 = fx * wy0 * impv
                        w01 = wx0 * fy * impv
                        w11 = fx * fy * impv
                        i00 = ty0 * W + ix0
                        i10 = i00 + 1
                        i01 = i00 + W
                        i11 = i00 + W + 1
                        aimp = acc.at[pl.ds(CG * PLANE, PLANE)]
                        plsc.addupdate_scatter(aimp, [i00], w00, mask=m00)
                        plsc.addupdate_scatter(aimp, [i10], w10, mask=m10)
                        plsc.addupdate_scatter(aimp, [i01], w01, mask=m01)
                        plsc.addupdate_scatter(aimp, [i11], w11, mask=m11)
                        for cl in range(CG):
                            fv = src[cl, rr, xw]
                            ac = acc.at[pl.ds(cl * PLANE, PLANE)]
                            plsc.addupdate_scatter(
                                ac, [i00], fv * w00, mask=m00)
                            plsc.addupdate_scatter(
                                ac, [i10], fv * w10, mask=m10)
                            plsc.addupdate_scatter(
                                ac, [i01], fv * w01, mask=m01)
                            plsc.addupdate_scatter(
                                ac, [i11], fv * w11, mask=m11)

                    @pl.when(hit)
                    def _():
                        @plsc.parallel_loop(0, W // 16, unroll=6)
                        def _(vc):
                            vec(vc)

                    return 0

                lax.fori_loop(rlo, rhi, row_body, 0)

            return 0

        lax.fori_loop(0, NCH, chunk_body, 0)

        @plsc.parallel_loop(0, PLANE // 16, unroll=4)
        def _(k):
            xw = pl.ds(CG * PLANE + k * 16, 16)
            acc[xw] = 1.0 / (acc[xw] + EPS)

        def norm_body(cl, _):
            @plsc.parallel_loop(0, PLANE // 16, unroll=4)
            def _(k):
                xw = pl.ds(cl * PLANE + k * 16, 16)
                rw = pl.ds(CG * PLANE + k * 16, 16)
                acc[xw] = acc[xw] * acc[rw]
            c = grp * CG + cl
            pltpu.async_copy(
                acc.at[pl.ds(cl * PLANE, PLANE)],
                out_hbm.at[pl.ds(((b * C + c) * H + y0) * W, PLANE)], osem)
            return 0

        lax.fori_loop(0, CG, norm_body, 0)

        def drain_body(cl, _):
            c = grp * CG + cl
            pltpu.make_async_copy(
                acc.at[pl.ds(cl * PLANE, PLANE)],
                out_hbm.at[pl.ds(((b * C + c) * H + y0) * W, PLANE)],
                osem).wait()
            return 0

        lax.fori_loop(0, CG, drain_body, 0)
        return 0

    lax.fori_loop(0, TPW, task_body, 0)


@jax.jit
def kernel(frame, flow, importance_metric):
    mesh = plsc.VectorSubcoreMesh(core_axis_name="c", subcore_axis_name="s")
    splat = pl.kernel(
        _splat_body,
        out_type=jax.ShapeDtypeStruct((B * C * H * W,), jnp.float32),
        mesh=mesh,
        compiler_params=pltpu.CompilerParams(
            use_tc_tiling_on_sc=False, needs_layout_passes=False),
        scratch_types=[
            pltpu.VMEM(((CG + 1) * PLANE,), jnp.float32),
            pltpu.VMEM((CG, 8, W), jnp.float32),
            pltpu.VMEM((2, 2, 8, W), jnp.float32),
            pltpu.VMEM((8, W), jnp.float32),
            pltpu.SemaphoreType.DMA,
            pltpu.SemaphoreType.DMA,
            pltpu.SemaphoreType.DMA,
        ],
    )
    return splat(frame, flow, importance_metric).reshape(B, C, H, W)

# --- scband reference (transcript-rebuilt; emitter-appended) ---
"""Pipeline reference for scband-splatting-75986561400905 (READ-ONLY COPY).

The authoritative reference and input builder live on the scoring server;
editing this copy changes nothing except your own understanding.
"""

import jax, jax.numpy as jnp
import numpy as np


def _summation_splat(frame, flow):
    B, C, H, W = frame.shape
    f = jnp.transpose(frame, (0, 2, 3, 1)).reshape(B * H * W, C)
    gx = jnp.arange(W, dtype=frame.dtype)[None, None, :]
    gy = jnp.arange(H, dtype=frame.dtype)[None, :, None]
    fltX = flow[:, 0] + gx
    fltY = flow[:, 1] + gy
    x0f = jnp.floor(fltX)
    y0f = jnp.floor(fltY)
    ix0 = x0f.astype(jnp.int32)
    iy0 = y0f.astype(jnp.int32)
    boff = (jnp.arange(B, dtype=jnp.int32) * (H * W))[:, None, None]
    out = jnp.zeros((B * H * W, C), dtype=frame.dtype)
    corners = [
        (0, 0, (x0f + 1.0 - fltX) * (y0f + 1.0 - fltY)),
        (1, 0, (fltX - x0f) * (y0f + 1.0 - fltY)),
        (0, 1, (x0f + 1.0 - fltX) * (fltY - y0f)),
        (1, 1, (fltX - x0f) * (fltY - y0f)),
    ]
    for dx, dy, w in corners:
        xi = ix0 + dx
        yi = iy0 + dy
        valid = (xi >= 0) & (xi < W) & (yi >= 0) & (yi < H)
        idx = jnp.where(valid, boff + yi * W + xi, 0).reshape(-1)
        wv = (w * valid.astype(frame.dtype)).reshape(-1, 1)
        out = out.at[idx].add(f * wv)
    return jnp.transpose(out.reshape(B, H, W, C), (0, 3, 1, 2))


def setup_inputs(seed: int = 0) -> dict:
    key = jax.random.key(seed)
    k1, k2, k3 = jax.random.split(key, 3)
    frame = jax.random.normal(k1, (2, 32, 512, 512), dtype=jnp.float32)
    flow = jax.random.normal(k2, (2, 2, 512, 512), dtype=jnp.float32)
    importance_metric = jax.random.normal(k3, (2, 1, 512, 512), dtype=jnp.float32)
    return {"frame": frame, "flow": flow, "importance_metric": importance_metric}


def reference(frame, flow, importance_metric):
    eps = 1e-07
    # splatting_type == 'softmax'
    imp = jnp.exp(importance_metric)
    f = jnp.concatenate([frame * imp, imp], axis=1)
    out = _summation_splat(f, flow)
    return out[:, :-1, :, :] / (out[:, -1:, :, :] + eps)

if __name__ == "__main__":
    import jax
    _d = setup_inputs()
    print(jax.jit(kernel)(*tuple(_d.values())))

</pallas_src>

<mosaic_0001>
#map = affine_map<(d0, d1) -> (0, 0, 0, 0)>
#map1 = affine_map<(d0, d1) -> (0)>
module attributes {stable_mosaic.version = 14 : i64} {
  func.func @_splat_body(%arg0: i32, %arg1: i32, %arg2: memref<2x32x512x512xf32, #tpu.memory_space<hbm>>, %arg3: memref<2x2x512x512xf32, #tpu.memory_space<hbm>>, %arg4: memref<2x1x512x512xf32, #tpu.memory_space<hbm>>, %arg5: memref<16777216xf32, #tpu.memory_space<hbm>>, %arg6: memref<73728xf32, #tpu.memory_space<vmem>>, %arg7: memref<8x8x512xf32, #tpu.memory_space<vmem>>, %arg8: memref<2x2x8x512xf32, #tpu.memory_space<vmem>>, %arg9: memref<8x512xf32, #tpu.memory_space<vmem>>, %arg10: memref<!tpu.dma_semaphore, #tpu.memory_space<semaphore_mem>>, %arg11: memref<!tpu.dma_semaphore, #tpu.memory_space<semaphore_mem>>, %arg12: memref<!tpu.dma_semaphore, #tpu.memory_space<semaphore_mem>>) attributes {dimension_semantics = [#tpu.dimension_semantics<core_parallel>, #tpu.dimension_semantics<subcore_parallel>], iteration_bounds = array<i64: 2, 16>, scalar_prefetch = 0 : i64, scratch_operands = 7 : i64, tpu.core_type = #tpu.core_type<sc_vector_subcore>, window_params = [{transform_indices = #map}, {transform_indices = #map}, {transform_indices = #map}, {transform_indices = #map1}]} {
    %mul3A = arith.constant 2 : i32
    %mul3A_0 = arith.muli %arg1, %mul3A : i32
    %add3A = arith.addi %mul3A_0, %arg0 : i32
    %iota3A = tpu.iota {dimensions = array<i32: 0>} : vector<16xi32>
    %broadcast_in_dim3A = arith.constant 0.000000e+00 : f32
    %broadcast_in_dim3A_1 = vector.broadcast %broadcast_in_dim3A : f32 to vector<16xf32>
    %scan3A = arith.constant 0 : i32
    %scan3A_2 = arith.constant 0 : i32
    %scan3A_3 = arith.constant 8 : i32
    %scan3A_4 = arith.addi %scan3A_2, %scan3A_3 : i32
    %scan3A_5 = arith.constant 1 : i32
    %scan3A_6 = scf.for %scan3A_8 = %scan3A_2 to %scan3A_4 step %scan3A_5 iter_args(%scan3A_9 = %scan3A) -> (i32)  : i32 {
      %jit3A = arith.constant 4 : i32
      %div3A = arith.divsi %scan3A_8, %jit3A : i32
      %sign3A = arith.constant 0 : i32
      %sign3A_10 = arith.cmpi sgt, %scan3A_8, %sign3A : i32
      %sign3A_11 = arith.extui %sign3A_10 : i1 to i32
      %sign3A_12 = arith.constant 0 : i32
      %sign3A_13 = arith.cmpi slt, %scan3A_8, %sign3A_12 : i32
      %sign3A_14 = arith.extui %sign3A_13 : i1 to i32
      %sign3A_15 = arith.subi %sign3A_11, %sign3A_14 : i32
      %sign3A_16 = arith.constant 0 : i32
      %sign3A_17 = arith.cmpi sgt, %jit3A, %sign3A_16 : i32
      %sign3A_18 = arith.extui %sign3A_17 : i1 to i32
      %sign3A_19 = arith.constant 0 : i32
      %sign3A_20 = arith.cmpi slt, %jit3A, %sign3A_19 : i32
      %sign3A_21 = arith.extui %sign3A_20 : i1 to i32
      %sign3A_22 = arith.subi %sign3A_18, %sign3A_21 : i32
      %ne3A = arith.cmpi ne, %sign3A_15, %sign3A_22 : i32
      %rem3A = arith.remsi %scan3A_8, %jit3A : i32
      %ne3A_23 = arith.constant 0 : i32
      %ne3A_24 = arith.cmpi ne, %rem3A, %ne3A_23 : i32
      %and3A = arith.andi %ne3A, %ne3A_24 : i1
      %sub3A = arith.constant 1 : i32
      %sub3A_25 = arith.subi %div3A, %sub3A : i32
      %select_n3A = arith.select %and3A, %sub3A_25, %div3A : i32
      %mul3A_26 = arith.constant 32 : i32
      %mul3A_27 = arith.muli %mul3A_26, %select_n3A : i32
      %add3A_28 = arith.addi %add3A, %mul3A_27 : i32
      %jit3A_29 = arith.constant 32 : i32
      %div3A_30 = arith.divsi %add3A_28, %jit3A_29 : i32
      %sign3A_31 = arith.constant 0 : i32
      %sign3A_32 = arith.cmpi sgt, %add3A_28, %sign3A_31 : i32
      %sign3A_33 = arith.extui %sign3A_32 : i1 to i32
      %sign3A_34 = arith.constant 0 : i32
      %sign3A_35 = arith.cmpi slt, %add3A_28, %sign3A_34 : i32
      %sign3A_36 = arith.extui %sign3A_35 : i1 to i32
      %sign3A_37 = arith.subi %sign3A_33, %sign3A_36 : i32
      %sign3A_38 = arith.constant 0 : i32
      %sign3A_39 = arith.cmpi sgt, %jit3A_29, %sign3A_38 : i32
      %sign3A_40 = arith.extui %sign3A_39 : i1 to i32
      %sign3A_41 = arith.constant 0 : i32
      %sign3A_42 = arith.cmpi slt, %jit3A_29, %sign3A_41 : i32
      %sign3A_43 = arith.extui %sign3A_42 : i1 to i32
      %sign3A_44 = arith.subi %sign3A_40, %sign3A_43 : i32
      %ne3A_45 = arith.cmpi ne, %sign3A_37, %sign3A_44 : i32
      %rem3A_46 = arith.remsi %add3A_28, %jit3A_29 : i32
      %ne3A_47 = arith.constant 0 : i32
      %ne3A_48 = arith.cmpi ne, %rem3A_46, %ne3A_47 : i32
      %and3A_49 = arith.andi %ne3A_45, %ne3A_48 : i1
      %sub3A_50 = arith.constant 1 : i32
      %sub3A_51 = arith.subi %div3A_30, %sub3A_50 : i32
      %select_n3A_52 = arith.select %and3A_49, %sub3A_51, %div3A_30 : i32
      %jit3A_53 = arith.constant 32 : i32
      %eq3A = arith.constant 0 : i32
      %eq3A_54 = arith.cmpi eq, %jit3A_53, %eq3A : i32
      %jit3A_55 = arith.constant 1 : i32
      %select_n3A_56 = arith.select %eq3A_54, %jit3A_55, %jit3A_53 : i32
      %rem3A_57 = arith.remsi %add3A_28, %select_n3A_56 : i32
      %ne3A_58 = arith.constant 0 : i32
      %ne3A_59 = arith.cmpi ne, %rem3A_57, %ne3A_58 : i32
      %lt3A = arith.constant 0 : i32
      %lt3A_60 = arith.cmpi slt, %rem3A_57, %lt3A : i32
      %lt3A_61 = arith.constant 0 : i32
      %lt3A_62 = arith.cmpi slt, %select_n3A_56, %lt3A_61 : i32
      %ne3A_63 = arith.xori %lt3A_60, %lt3A_62 : i1
      %and3A_64 = arith.andi %ne3A_63, %ne3A_59 : i1
      %add3A_65 = arith.addi %rem3A_57, %select_n3A_56 : i32
      %select_n3A_66 = arith.select %and3A_64, %add3A_65, %rem3A_57 : i32
      %mul3A_67 = arith.constant 16 : i32
      %mul3A_68 = arith.muli %select_n3A_66, %mul3A_67 : i32
      %rem3A_69 = arith.constant 4 : i32
      %rem3A_70 = arith.remsi %scan3A_8, %rem3A_69 : i32
      %sub3A_71 = arith.constant 16 : i32
      %sub3A_72 = arith.subi %mul3A_68, %sub3A_71 : i32
      %jit3A_73 = arith.constant 0 : i32
      %jit3A_74 = arith.constant 472 : i32
      %max3A = arith.maxsi %jit3A_73, %sub3A_72 : i32
      %min3A = arith.minsi %jit3A_74, %max3A : i32
      %multiple_of3A = tpu.assume_multiple %min3A, 8 : i32
      %sub3A_75 = arith.constant 9 : i32
      %sub3A_76 = arith.subi %mul3A_68, %sub3A_75 : i32
      %max3A_77 = arith.constant 0 : i32
      %max3A_78 = arith.maxsi %max3A_77, %sub3A_76 : i32
      %sub3A_79 = arith.subi %max3A_78, %multiple_of3A : i32
      %add3A_80 = arith.constant 16 : i32
      %add3A_81 = arith.addi %mul3A_68, %add3A_80 : i32
      %add3A_82 = arith.constant 8 : i32
      %add3A_83 = arith.addi %add3A_81, %add3A_82 : i32
      %min3A_84 = arith.constant 512 : i32
      %min3A_85 = arith.minsi %min3A_84, %add3A_83 : i32
      %sub3A_86 = arith.subi %min3A_85, %multiple_of3A : i32
      %parallel_loop3A = arith.constant 0 : i32
      %parallel_loop3A_87 = arith.constant 4608 : i32
      %parallel_loop3A_88 = arith.constant 1 : i32
      scf.for %parallel_loop3A_137 = %parallel_loop3A to %parallel_loop3A_87 step %parallel_loop3A_88  : i32 {
        %parallel_loop3A_138 = arith.constant 16 : i32
        %parallel_loop3A_139 = arith.muli %parallel_loop3A_137, %parallel_loop3A_138 : i32
        %parallel_loop3A_140 = arith.index_cast %parallel_loop3A_139 : i32 to index
        %parallel_loop3A_141 = tpu.vector_load %arg6[%parallel_loop3A_140] {strides = array<i32>} : memref<73728xf32, #tpu.memory_space<vmem>>, vector<16xf32>,
        tpu.vector_store %arg6[%parallel_loop3A_140], %broadcast_in_dim3A_1 {strides = array<i32>} : memref<73728xf32, #tpu.memory_space<vmem>>, vector<16xf32>,
      } {sc.loop_unroll_factor = 4 : i64, sc.parallel_access}
      %add3A_89 = arith.constant 0 : i32
      %add3A_90 = arith.addi %multiple_of3A, %add3A_89 : i32
      %multiple_of3A_91 = tpu.assume_multiple %add3A_90, 8 : i32
      %rem3A_92 = arith.constant 0 : i32
      %rem3A_93 = arith.constant 2 : i32
      %rem3A_94 = arith.remsi %rem3A_92, %rem3A_93 : i32
      %dma_start3A = arith.constant 0 : i32
      %dma_start3A_95 = arith.constant 0 : i32
      %dma_start3A_96 = arith.constant 0 : i32
      %dma_start3A_97 = tpu.memref_slice %arg8[%rem3A_94, %dma_start3A, %dma_start3A_95, %dma_start3A_96] : memref<2x2x8x512xf32, #tpu.memory_space<vmem>> -> memref<1x2x8x512xf32, #tpu.memory_space<vmem>>
      %dma_start3A_98 = tpu.memref_squeeze %dma_start3A_97 : memref<1x2x8x512xf32, #tpu.memory_space<vmem>> -> memref<2x8x512xf32, #tpu.memory_space<vmem>>
      %dma_start3A_99 = arith.constant 0 : i32
      %dma_start3A_100 = arith.constant 0 : i32
      %dma_start3A_101 = tpu.memref_slice %arg3[%select_n3A_52, %dma_start3A_99, %multiple_of3A_91, %dma_start3A_100] : memref<2x2x512x512xf32, #tpu.memory_space<hbm>> -> memref<1x2x8x512xf32, #tpu.memory_space<hbm>>
      %dma_start3A_102 = tpu.memref_squeeze %dma_start3A_101 : memref<1x2x8x512xf32, #tpu.memory_space<hbm>> -> memref<2x8x512xf32, #tpu.memory_space<hbm>>
      %dma_start3A_103 = arith.constant 0 : i32
      %dma_start3A_104 = arith.constant 0 : i32
      %dma_start3A_105 = arith.constant 0 : i32
      %dma_start3A_106 = tpu.memref_slice %arg8[%rem3A_94, %dma_start3A_103, %dma_start3A_104, %dma_start3A_105] : memref<2x2x8x512xf32, #tpu.memory_space<vmem>> -> memref<1x2x8x512xf32, #tpu.memory_space<vmem>>
      %dma_start3A_107 = tpu.memref_squeeze %dma_start3A_106 : memref<1x2x8x512xf32, #tpu.memory_space<vmem>> -> memref<2x8x512xf32, #tpu.memory_space<vmem>>
      %dma_start3A_108 = arith.constant 0 : i32
      %dma_start3A_109 = arith.constant 0 : i32
      %dma_start3A_110 = tpu.memref_slice %arg3[%select_n3A_52, %dma_start3A_108, %multiple_of3A_91, %dma_start3A_109] : memref<2x2x512x512xf32, #tpu.memory_space<hbm>> -> memref<1x2x8x512xf32, #tpu.memory_space<hbm>>
      %dma_start3A_111 = tpu.memref_squeeze %dma_start3A_110 : memref<1x2x8x512xf32, #tpu.memory_space<hbm>> -> memref<2x8x512xf32, #tpu.memory_space<hbm>>
      tpu.enqueue_dma source(%dma_start3A_111 : memref<2x8x512xf32, #tpu.memory_space<hbm>>) target(%dma_start3A_107 : memref<2x8x512xf32, #tpu.memory_space<vmem>>) target_semaphore(%arg11 : memref<!tpu.dma_semaphore, #tpu.memory_space<semaphore_mem>>)
      %scan3A_112 = arith.constant 0 : i32
      %scan3A_113 = arith.constant 0 : i32
      %scan3A_114 = arith.constant 5 : i32
      %scan3A_115 = arith.addi %scan3A_113, %scan3A_114 : i32
      %scan3A_116 = arith.constant 1 : i32
      %scan3A_117 = scf.for %scan3A_137 = %scan3A_113 to %scan3A_115 step %scan3A_116 iter_args(%scan3A_138 = %scan3A_112) -> (i32)  : i32 {
        %mul3A_139 = arith.constant 8 : i32
        %mul3A_140 = arith.muli %scan3A_137, %mul3A_139 : i32
        %add3A_141 = arith.addi %multiple_of3A, %mul3A_140 : i32
        %multiple_of3A_142 = tpu.assume_multiple %add3A_141, 8 : i32
        %rem3A_143 = arith.constant 2 : i32
        %rem3A_144 = arith.remsi %scan3A_137, %rem3A_143 : i32
        %mul3A_145 = arith.constant 8 : i32
        %mul3A_146 = arith.muli %scan3A_137, %mul3A_145 : i32
        %sub3A_147 = arith.subi %sub3A_79, %mul3A_146 : i32
        %jit3A_148 = arith.constant 0 : i32
        %jit3A_149 = arith.constant 8 : i32
        %max3A_150 = arith.maxsi %jit3A_148, %sub3A_147 : i32
        %min3A_151 = arith.minsi %jit3A_149, %max3A_150 : i32
        %mul3A_152 = arith.constant 8 : i32
        %mul3A_153 = arith.muli %scan3A_137, %mul3A_152 : i32
        %sub3A_154 = arith.subi %sub3A_86, %mul3A_153 : i32
        %jit3A_155 = arith.constant 0 : i32
        %jit3A_156 = arith.constant 8 : i32
        %max3A_157 = arith.maxsi %jit3A_155, %sub3A_154 : i32
        %min3A_158 = arith.minsi %jit3A_156, %max3A_157 : i32
        %mul3A_159 = arith.constant 8 : i32
        %mul3A_160 = arith.muli %rem3A_70, %mul3A_159 : i32
        %gt3A = arith.cmpi sgt, %min3A_158, %min3A_151 : i32
        %convert_element_type3A = arith.extui %gt3A : i1 to i32
        %cond3A = arith.constant 0 : i32
        %cond3A_161 = arith.cmpi ne, %convert_element_type3A, %cond3A : i32
        scf.if %cond3A_161 {
          %dma_start3A_191 = arith.constant 0 : i32
          %dma_start3A_192 = tpu.memref_slice %arg2[%select_n3A_52, %mul3A_160, %multiple_of3A_142, %dma_start3A_191] : memref<2x32x512x512xf32, #tpu.memory_space<hbm>> -> memref<1x8x8x512xf32, #tpu.memory_space<hbm>>
          %dma_start3A_193 = tpu.memref_squeeze %dma_start3A_192 : memref<1x8x8x512xf32, #tpu.memory_space<hbm>> -> memref<8x8x512xf32, #tpu.memory_space<hbm>>
          %dma_start3A_194 = arith.constant 0 : i32
          %dma_start3A_195 = tpu.memref_slice %arg2[%select_n3A_52, %mul3A_160, %multiple_of3A_142, %dma_start3A_194] : memref<2x32x512x512xf32, #tpu.memory_space<hbm>> -> memref<1x8x8x512xf32, #tpu.memory_space<hbm>>
          %dma_start3A_196 = tpu.memref_squeeze %dma_start3A_195 : memref<1x8x8x512xf32, #tpu.memory_space<hbm>> -> memref<8x8x512xf32, #tpu.memory_space<hbm>>
          tpu.enqueue_dma source(%dma_start3A_196 : memref<8x8x512xf32, #tpu.memory_space<hbm>>) target(%arg7 : memref<8x8x512xf32, #tpu.memory_space<vmem>>) target_semaphore(%arg10 : memref<!tpu.dma_semaphore, #tpu.memory_space<semaphore_mem>>)
        } else {
        }
        %dma_wait3A = arith.constant 0 : i32
        %dma_wait3A_162 = arith.constant 0 : i32
        %dma_wait3A_163 = arith.constant 0 : i32
        %dma_wait3A_164 = tpu.memref_slice %arg8[%rem3A_144, %dma_wait3A, %dma_wait3A_162, %dma_wait3A_163] : memref<2x2x8x512xf32, #tpu.memory_space<vmem>> -> memref<1x2x8x512xf32, #tpu.memory_space<vmem>>
        %dma_wait3A_165 = tpu.memref_squeeze %dma_wait3A_164 : memref<1x2x8x512xf32, #tpu.memory_space<vmem>> -> memref<2x8x512xf32, #tpu.memory_space<vmem>>
        %dma_wait3A_166 = arith.constant 0 : i32
        %dma_wait3A_167 = arith.constant 0 : i32
        %dma_wait3A_168 = tpu.memref_slice %arg3[%select_n3A_52, %dma_wait3A_166, %multiple_of3A_142, %dma_wait3A_167] : memref<2x2x512x512xf32, #tpu.memory_space<hbm>> -> memref<1x2x8x512xf32, #tpu.memory_space<hbm>>
        %dma_wait3A_169 = tpu.memref_squeeze %dma_wait3A_168 : memref<1x2x8x512xf32, #tpu.memory_space<hbm>> -> memref<2x8x512xf32, #tpu.memory_space<hbm>>
        %dma_wait3A_170 = arith.constant 0 : i32
        %dma_wait3A_171 = arith.constant 0 : i32
        %dma_wait3A_172 = arith.constant 0 : i32
        %dma_wait3A_173 = tpu.memref_slice %arg8[%rem3A_144, %dma_wait3A_170, %dma_wait3A_171, %dma_wait3A_172] : memref<2x2x8x512xf32, #tpu.memory_space<vmem>> -> memref<1x2x8x512xf32, #tpu.memory_space<vmem>>
        %dma_wait3A_174 = tpu.memref_squeeze %dma_wait3A_173 : memref<1x2x8x512xf32, #tpu.memory_space<vmem>> -> memref<2x8x512xf32, #tpu.memory_space<vmem>>
        %dma_wait3A_175 = arith.constant 0 : i32
        %dma_wait3A_176 = arith.constant 0 : i32
        %dma_wait3A_177 = tpu.memref_slice %arg3[%select_n3A_52, %dma_wait3A_175, %multiple_of3A_142, %dma_wait3A_176] : memref<2x2x512x512xf32, #tpu.memory_space<hbm>> -> memref<1x2x8x512xf32, #tpu.memory_space<hbm>>
        %dma_wait3A_178 = tpu.memref_squeeze %dma_wait3A_177 : memref<1x2x8x512xf32, #tpu.memory_space<hbm>> -> memref<2x8x512xf32, #tpu.memory_space<hbm>>
        tpu.wait_dma2 semaphore(%arg11 : memref<!tpu.dma_semaphore, #tpu.memory_space<semaphore_mem>>) src(%dma_wait3A_178 : memref<2x8x512xf32, #tpu.memory_space<hbm>>) dst(%dma_wait3A_174 : memref<2x8x512xf32, #tpu.memory_space<vmem>>)
        %add3A_179 = arith.constant 1 : i32
        %add3A_180 = arith.addi %scan3A_137, %add3A_179 : i32
        %lt3A_181 = arith.constant 5 : i32
        %lt3A_182 = arith.cmpi slt, %add3A_180, %lt3A_181 : i32
        %convert_element_type3A_183 = arith.extui %lt3A_182 : i1 to i32
        %cond3A_184 = arith.constant 0 : i32
        %cond3A_185 = arith.cmpi ne, %convert_element_type3A_183, %cond3A_184 : i32
        scf.if %cond3A_185 {
          %add3A_191 = arith.constant 1 : i32
          %add3A_192 = arith.addi %scan3A_137, %add3A_191 : i32
          %mul3A_193 = arith.constant 8 : i32
          %mul3A_194 = arith.muli %add3A_192, %mul3A_193 : i32
          %add3A_195 = arith.addi %multiple_of3A, %mul3A_194 : i32
          %multiple_of3A_196 = tpu.assume_multiple %add3A_195, 8 : i32
          %rem3A_197 = arith.constant 2 : i32
          %rem3A_198 = arith.remsi %add3A_192, %rem3A_197 : i32
          %dma_start3A_199 = arith.constant 0 : i32
          %dma_start3A_200 = arith.constant 0 : i32
          %dma_start3A_201 = arith.constant 0 : i32
          %dma_start3A_202 = tpu.memref_slice %arg8[%rem3A_198, %dma_start3A_199, %dma_start3A_200, %dma_start3A_201] : memref<2x2x8x512xf32, #tpu.memory_space<vmem>> -> memref<1x2x8x512xf32, #tpu.memory_space<vmem>>
          %dma_start3A_203 = tpu.memref_squeeze %dma_start3A_202 : memref<1x2x8x512xf32, #tpu.memory_space<vmem>> -> memref<2x8x512xf32, #tpu.memory_space<vmem>>
          %dma_start3A_204 = arith.constant 0 : i32
          %dma_start3A_205 = arith.constant 0 : i32
          %dma_start3A_206 = tpu.memref_slice %arg3[%select_n3A_52, %dma_start3A_204, %multiple_of3A_196, %dma_start3A_205] : memref<2x2x512x512xf32, #tpu.memory_space<hbm>> -> memref<1x2x8x512xf32, #tpu.memory_space<hbm>>
          %dma_start3A_207 = tpu.memref_squeeze %dma_start3A_206 : memref<1x2x8x512xf32, #tpu.memory_space<hbm>> -> memref<2x8x512xf32, #tpu.memory_space<hbm>>
          %dma_start3A_208 = arith.constant 0 : i32
          %dma_start3A_209 = arith.constant 0 : i32
          %dma_start3A_210 = arith.constant 0 : i32
          %dma_start3A_211 = tpu.memref_slice %arg8[%rem3A_198, %dma_start3A_208, %dma_start3A_209, %dma_start3A_210] : memref<2x2x8x512xf32, #tpu.memory_space<vmem>> -> memref<1x2x8x512xf32, #tpu.memory_space<vmem>>
          %dma_start3A_212 = tpu.memref_squeeze %dma_start3A_211 : memref<1x2x8x512xf32, #tpu.memory_space<vmem>> -> memref<2x8x512xf32, #tpu.memory_space<vmem>>
          %dma_start3A_213 = arith.constant 0 : i32
          %dma_start3A_214 = arith.constant 0 : i32
          %dma_start3A_215 = tpu.memref_slice %arg3[%select_n3A_52, %dma_start3A_213, %multiple_of3A_196, %dma_start3A_214] : memref<2x2x512x512xf32, #tpu.memory_space<hbm>> -> memref<1x2x8x512xf32, #tpu.memory_space<hbm>>
          %dma_start3A_216 = tpu.memref_squeeze %dma_start3A_215 : memref<1x2x8x512xf32, #tpu.memory_space<hbm>> -> memref<2x8x512xf32, #tpu.memory_space<hbm>>
          tpu.enqueue_dma source(%dma_start3A_216 : memref<2x8x512xf32, #tpu.memory_space<hbm>>) target(%dma_start3A_212 : memref<2x8x512xf32, #tpu.memory_space<vmem>>) target_semaphore(%arg11 : memref<!tpu.dma_semaphore, #tpu.memory_space<semaphore_mem>>)
        } else {
        }
        %gt3A_186 = arith.cmpi sgt, %min3A_158, %min3A_151 : i32
        %convert_element_type3A_187 = arith.extui %gt3A_186 : i1 to i32
        %cond3A_188 = arith.constant 0 : i32
        %cond3A_189 = arith.cmpi ne, %convert_element_type3A_187, %cond3A_188 : i32
        scf.if %cond3A_189 {
          %run_scoped3A = arith.constant 0 : i32
          "tpu.region"() ({
            %run_scoped3A_207 = tpu.sem_alloc : memref<!tpu.dma_semaphore, #tpu.memory_space<semaphore_mem>>
            %dma_start3A_208 = arith.constant 0 : i32
            %dma_start3A_209 = tpu.memref_slice %arg4[%select_n3A_52, %run_scoped3A, %multiple_of3A_142, %dma_start3A_208] : memref<2x1x512x512xf32, #tpu.memory_space<hbm>> -> memref<1x1x8x512xf32, #tpu.memory_space<hbm>>
            %dma_start3A_210 = tpu.memref_squeeze %dma_start3A_209 : memref<1x1x8x512xf32, #tpu.memory_space<hbm>> -> memref<8x512xf32, #tpu.memory_space<hbm>>
            %dma_start3A_211 = arith.constant 0 : i32
            %dma_start3A_212 = tpu.memref_slice %arg4[%select_n3A_52, %run_scoped3A, %multiple_of3A_142, %dma_start3A_211] : memref<2x1x512x512xf32, #tpu.memory_space<hbm>> -> memref<1x1x8x512xf32, #tpu.memory_space<hbm>>
            %dma_start3A_213 = tpu.memref_squeeze %dma_start3A_212 : memref<1x1x8x512xf32, #tpu.memory_space<hbm>> -> memref<8x512xf32, #tpu.memory_space<hbm>>
            tpu.enqueue_dma source(%dma_start3A_213 : memref<8x512xf32, #tpu.memory_space<hbm>>) target(%arg9 : memref<8x512xf32, #tpu.memory_space<vmem>>) target_semaphore(%run_scoped3A_207 : memref<!tpu.dma_semaphore, #tpu.memory_space<semaphore_mem>>)
            %dma_wait3A_214 = arith.constant 0 : i32
            %dma_wait3A_215 = tpu.memref_slice %arg4[%select_n3A_52, %run_scoped3A, %multiple_of3A_142, %dma_wait3A_214] : memref<2x1x512x512xf32, #tpu.memory_space<hbm>> -> memref<1x1x8x512xf32, #tpu.memory_space<hbm>>
            %dma_wait3A_216 = tpu.memref_squeeze %dma_wait3A_215 : memref<1x1x8x512xf32, #tpu.memory_space<hbm>> -> memref<8x512xf32, #tpu.memory_space<hbm>>
            %dma_wait3A_217 = arith.constant 0 : i32
            %dma_wait3A_218 = tpu.memref_slice %arg4[%select_n3A_52, %run_scoped3A, %multiple_of3A_142, %dma_wait3A_217] : memref<2x1x512x512xf32, #tpu.memory_space<hbm>> -> memref<1x1x8x512xf32, #tpu.memory_space<hbm>>
            %dma_wait3A_219 = tpu.memref_squeeze %dma_wait3A_218 : memref<1x1x8x512xf32, #tpu.memory_space<hbm>> -> memref<8x512xf32, #tpu.memory_space<hbm>>
            tpu.wait_dma2 semaphore(%run_scoped3A_207 : memref<!tpu.dma_semaphore, #tpu.memory_space<semaphore_mem>>) src(%dma_wait3A_219 : memref<8x512xf32, #tpu.memory_space<hbm>>) dst(%arg9 : memref<8x512xf32, #tpu.memory_space<vmem>>)
            tpu.yield
          }) : () -> ()
          %dma_wait3A_191 = arith.constant 0 : i32
          %dma_wait3A_192 = tpu.memref_slice %arg2[%select_n3A_52, %mul3A_160, %multiple_of3A_142, %dma_wait3A_191] : memref<2x32x512x512xf32, #tpu.memory_space<hbm>> -> memref<1x8x8x512xf32, #tpu.memory_space<hbm>>
          %dma_wait3A_193 = tpu.memref_squeeze %dma_wait3A_192 : memref<1x8x8x512xf32, #tpu.memory_space<hbm>> -> memref<8x8x512xf32, #tpu.memory_space<hbm>>
          %dma_wait3A_194 = arith.constant 0 : i32
          %dma_wait3A_195 = tpu.memref_slice %arg2[%select_n3A_52, %mul3A_160, %multiple_of3A_142, %dma_wait3A_194] : memref<2x32x512x512xf32, #tpu.memory_space<hbm>> -> memref<1x8x8x512xf32, #tpu.memory_space<hbm>>
          %dma_wait3A_196 = tpu.memref_squeeze %dma_wait3A_195 : memref<1x8x8x512xf32, #tpu.memory_space<hbm>> -> memref<8x8x512xf32, #tpu.memory_space<hbm>>
          tpu.wait_dma2 semaphore(%arg10 : memref<!tpu.dma_semaphore, #tpu.memory_space<semaphore_mem>>) src(%dma_wait3A_196 : memref<8x8x512xf32, #tpu.memory_space<hbm>>) dst(%arg7 : memref<8x8x512xf32, #tpu.memory_space<vmem>>)
          %while3A = arith.constant 0 : i32
          %while3A_197 = arith.subi %min3A_158, %min3A_151 : i32
          %while3A_198 = arith.addi %min3A_151, %while3A_197 : i32
          %while3A_199 = arith.constant 1 : i32
          %while3A_200 = arith.divsi %while3A_197, %while3A_199 : i32
          %while3A_201 = arith.muli %while3A_200, %while3A_199 : i32
          %while3A_202 = arith.addi %min3A_151, %while3A_201 : i32
          %while3A_203 = arith.constant 1 : i32
          %while3A_204 = scf.for %while3A_207 = %min3A_151 to %while3A_202 step %while3A_203 iter_args(%while3A_208 = %while3A) -> (i32)  : i32 {
            %add3A_209 = arith.addi %multiple_of3A_142, %while3A_207 : i32
            %convert_element_type3A_210 = arith.sitofp %add3A_209 : i32 to f32
            %neg3A = arith.constant 0.000000e+00 : f32
            %neg3A_211 = arith.constant 1.000000e+30 : f32
            %neg3A_212 = arith.subf %neg3A, %neg3A_211 : f32
            %broadcast_in_dim3A_213 = vector.broadcast %neg3A_212 : f32 to vector<16xf32>
            %broadcast_in_dim3A_214 = arith.constant 1.000000e+30 : f32
            %broadcast_in_dim3A_215 = vector.broadcast %broadcast_in_dim3A_214 : f32 to vector<16xf32>
            %scan3A_216 = arith.constant 0 : i32
            %scan3A_217 = arith.constant 32 : i32
            %scan3A_218 = arith.addi %scan3A_216, %scan3A_217 : i32
            %scan3A_219 = arith.constant 1 : i32
            %scan3A_220:2 = scf.for %scan3A_242 = %scan3A_216 to %scan3A_218 step %scan3A_219 iter_args(%scan3A_243 = %broadcast_in_dim3A_213, %scan3A_244 = %broadcast_in_dim3A_215) -> (vector<16xf32>, vector<16xf32>)  : i32 {
              %mul3A_245 = arith.constant 16 : i32
              %mul3A_246 = arith.muli %scan3A_242, %mul3A_245 : i32
              %get3A = arith.constant 1 : i32
              %get3A_247 = arith.index_cast %rem3A_144 : i32 to index
              %get3A_248 = arith.index_cast %get3A : i32 to index
              %get3A_249 = arith.index_cast %while3A_207 : i32 to index
              %get3A_250 = arith.index_cast %mul3A_246 : i32 to index
              %get3A_251 = tpu.vector_load %arg8[%get3A_247, %get3A_248, %get3A_249, %get3A_250] {strides = array<i32>} : memref<2x2x8x512xf32, #tpu.memory_space<vmem>>, vector<16xf32>,
              %max3A_252 = arith.maximumf %scan3A_243, %get3A_251 : vector<16xf32>
              %min3A_253 = arith.minimumf %scan3A_244, %get3A_251 : vector<16xf32>
              scf.yield %max3A_252, %min3A_253 : vector<16xf32>, vector<16xf32>
            }
            %scan3A_221 = arith.constant 32 : i32
            %reduce_max3A = arith.constant true
            %reduce_max3A_222 = vector.broadcast %reduce_max3A : i1 to vector<16xi1>
            %reduce_max3A_223 = tpu.scan <max>, %scan3A_220#0 masked %reduce_max3A_222 : vector<16xf32>, vector<16xi1> -> vector<16xf32>
            %reduce_max3A_224 = vector.extract %reduce_max3A_223[15] : f32 from vector<16xf32>
            %reduce_min3A = arith.constant true
            %reduce_min3A_225 = vector.broadcast %reduce_min3A : i1 to vector<16xi1>
            %reduce_min3A_226 = tpu.scan <min>, %scan3A_220#1 masked %reduce_min3A_225 : vector<16xf32>, vector<16xi1> -> vector<16xf32>
            %reduce_min3A_227 = vector.extract %reduce_min3A_226[15] : f32 from vector<16xf32>
            %add3A_228 = arith.addf %convert_element_type3A_210, %reduce_max3A_224 : f32
            %sub3A_229 = arith.constant 1 : i32
            %sub3A_230 = arith.subi %mul3A_68, %sub3A_229 : i32
            %convert_element_type3A_231 = arith.sitofp %sub3A_230 : i32 to f32
            %ge3A = arith.cmpf oge, %add3A_228, %convert_element_type3A_231 : f32
            %add3A_232 = arith.addf %convert_element_type3A_210, %reduce_min3A_227 : f32
            %add3A_233 = arith.constant 16 : i32
            %add3A_234 = arith.addi %mul3A_68, %add3A_233 : i32
            %convert_element_type3A_235 = arith.sitofp %add3A_234 : i32 to f32
            %lt3A_236 = arith.cmpf olt, %add3A_232, %convert_element_type3A_235 : f32
            %and3A_237 = arith.andi %ge3A, %lt3A_236 : i1
            %convert_element_type3A_238 = arith.extui %and3A_237 : i1 to i32
            %cond3A_239 = arith.constant 0 : i32
            %cond3A_240 = arith.cmpi ne, %convert_element_type3A_238, %cond3A_239 : i32
            scf.if %cond3A_240 {
              %parallel_loop3A_242 = arith.constant 0 : i32
              %parallel_loop3A_243 = arith.constant 32 : i32
              %parallel_loop3A_244 = arith.constant 1 : i32
              scf.for %parallel_loop3A_245 = %parallel_loop3A_242 to %parallel_loop3A_243 step %parallel_loop3A_244  : i32 {
                %parallel_loop3A_246 = arith.constant 16 : i32
                %parallel_loop3A_247 = arith.muli %parallel_loop3A_245, %parallel_loop3A_246 : i32
                %parallel_loop3A_248 = arith.constant 16 : i32
                %parallel_loop3A_249 = arith.muli %parallel_loop3A_245, %parallel_loop3A_248 : i32
                %parallel_loop3A_250 = vector.broadcast %parallel_loop3A_249 : i32 to vector<16xi32>
                %parallel_loop3A_251 = arith.addi %parallel_loop3A_250, %iota3A : vector<16xi32>
                %parallel_loop3A_252 = arith.sitofp %parallel_loop3A_251 : vector<16xi32> to vector<16xf32>
                %parallel_loop3A_253 = arith.constant 0 : i32
                %parallel_loop3A_254 = arith.index_cast %rem3A_144 : i32 to index
                %parallel_loop3A_255 = arith.index_cast %parallel_loop3A_253 : i32 to index
                %parallel_loop3A_256 = arith.index_cast %while3A_207 : i32 to index
                %parallel_loop3A_257 = arith.index_cast %parallel_loop3A_247 : i32 to index
                %parallel_loop3A_258 = tpu.vector_load %arg8[%parallel_loop3A_254, %parallel_loop3A_255, %parallel_loop3A_256, %parallel_loop3A_257] {strides = array<i32>} : memref<2x2x8x512xf32, #tpu.memory_space<vmem>>, vector<16xf32>,
                %parallel_loop3A_259 = arith.addf %parallel_loop3A_258, %parallel_loop3A_252 : vector<16xf32>
                %parallel_loop3A_260 = arith.constant 1 : i32
                %parallel_loop3A_261 = arith.index_cast %rem3A_144 : i32 to index
                %parallel_loop3A_262 = arith.index_cast %parallel_loop3A_260 : i32 to index
                %parallel_loop3A_263 = arith.index_cast %while3A_207 : i32 to index
                %parallel_loop3A_264 = arith.index_cast %parallel_loop3A_247 : i32 to index
                %parallel_loop3A_265 = tpu.vector_load %arg8[%parallel_loop3A_261, %parallel_loop3A_262, %parallel_loop3A_263, %parallel_loop3A_264] {strides = array<i32>} : memref<2x2x8x512xf32, #tpu.memory_space<vmem>>, vector<16xf32>,
                %parallel_loop3A_266 = vector.broadcast %convert_element_type3A_210 : f32 to vector<16xf32>
                %parallel_loop3A_267 = arith.addf %parallel_loop3A_265, %parallel_loop3A_266 : vector<16xf32>
                %parallel_loop3A_268 = arith.fptosi %parallel_loop3A_259 : vector<16xf32> to vector<16xi32>
                %parallel_loop3A_269 = arith.sitofp %parallel_loop3A_268 : vector<16xi32> to vector<16xf32>
                %parallel_loop3A_270 = arith.cmpf ogt, %parallel_loop3A_269, %parallel_loop3A_259 : vector<16xf32>
                %parallel_loop3A_271 = arith.constant 1 : i32
                %parallel_loop3A_272 = vector.broadcast %parallel_loop3A_271 : i32 to vector<16xi32>
                %parallel_loop3A_273 = arith.subi %parallel_loop3A_268, %parallel_loop3A_272 : vector<16xi32>
                %parallel_loop3A_274 = arith.select %parallel_loop3A_270, %parallel_loop3A_273, %parallel_loop3A_268 : vector<16xi1>, vector<16xi32>
                %parallel_loop3A_275 = arith.constant 1.000000e+00 : f32
                %parallel_loop3A_276 = vector.broadcast %parallel_loop3A_275 : f32 to vector<16xf32>
                %parallel_loop3A_277 = arith.subf %parallel_loop3A_269, %parallel_loop3A_276 : vector<16xf32>
                %parallel_loop3A_278 = arith.select %parallel_loop3A_270, %parallel_loop3A_277, %parallel_loop3A_269 : vector<16xi1>, vector<16xf32>
                %parallel_loop3A_279 = arith.fptosi %parallel_loop3A_267 : vector<16xf32> to vector<16xi32>
                %parallel_loop3A_280 = arith.sitofp %parallel_loop3A_279 : vector<16xi32> to vector<16xf32>
                %parallel_loop3A_281 = arith.cmpf ogt, %parallel_loop3A_280, %parallel_loop3A_267 : vector<16xf32>
                %parallel_loop3A_282 = arith.constant 1 : i32
                %parallel_loop3A_283 = vector.broadcast %parallel_loop3A_282 : i32 to vector<16xi32>
                %parallel_loop3A_284 = arith.subi %parallel_loop3A_279, %parallel_loop3A_283 : vector<16xi32>
                %parallel_loop3A_285 = arith.select %parallel_loop3A_281, %parallel_loop3A_284, %parallel_loop3A_279 : vector<16xi1>, vector<16xi32>
                %parallel_loop3A_286 = arith.constant 1.000000e+00 : f32
                %parallel_loop3A_287 = vector.broadcast %parallel_loop3A_286 : f32 to vector<16xf32>
                %parallel_loop3A_288 = arith.subf %parallel_loop3A_280, %parallel_loop3A_287 : vector<16xf32>
                %parallel_loop3A_289 = arith.select %parallel_loop3A_281, %parallel_loop3A_288, %parallel_loop3A_280 : vector<16xi1>, vector<16xf32>
                %parallel_loop3A_290 = arith.subf %parallel_loop3A_259, %parallel_loop3A_278 : vector<16xf32>
                %parallel_loop3A_291 = arith.subf %parallel_loop3A_267, %parallel_loop3A_289 : vector<16xf32>
                %parallel_loop3A_292 = arith.constant 1.000000e+00 : f32
                %parallel_loop3A_293 = vector.broadcast %parallel_loop3A_292 : f32 to vector<16xf32>
                %parallel_loop3A_294 = arith.subf %parallel_loop3A_293, %parallel_loop3A_290 : vector<16xf32>
                %parallel_loop3A_295 = arith.constant 1.000000e+00 : f32
                %parallel_loop3A_296 = vector.broadcast %parallel_loop3A_295 : f32 to vector<16xf32>
                %parallel_loop3A_297 = arith.subf %parallel_loop3A_296, %parallel_loop3A_291 : vector<16xf32>
                %parallel_loop3A_298 = vector.broadcast %mul3A_68 : i32 to vector<16xi32>
                %parallel_loop3A_299 = arith.subi %parallel_loop3A_285, %parallel_loop3A_298 : vector<16xi32>
                %parallel_loop3A_300 = arith.constant 1 : i32
                %parallel_loop3A_301 = vector.broadcast %parallel_loop3A_300 : i32 to vector<16xi32>
                %parallel_loop3A_302 = arith.addi %parallel_loop3A_299, %parallel_loop3A_301 : vector<16xi32>
                %parallel_loop3A_303 = vector.bitcast %parallel_loop3A_299 : vector<16xi32> to vector<16xi32>
                %parallel_loop3A_304 = arith.constant 16 : i32
                %parallel_loop3A_305 = vector.broadcast %parallel_loop3A_304 : i32 to vector<16xi32>
                %parallel_loop3A_306 = arith.cmpi ult, %parallel_loop3A_303, %parallel_loop3A_305 : vector<16xi32>
                %parallel_loop3A_307 = vector.bitcast %parallel_loop3A_302 : vector<16xi32> to vector<16xi32>
                %parallel_loop3A_308 = arith.constant 16 : i32
                %parallel_loop3A_309 = vector.broadcast %parallel_loop3A_308 : i32 to vector<16xi32>
                %parallel_loop3A_310 = arith.cmpi ult, %parallel_loop3A_307, %parallel_loop3A_309 : vector<16xi32>
                %parallel_loop3A_311 = vector.bitcast %parallel_loop3A_274 : vector<16xi32> to vector<16xi32>
                %parallel_loop3A_312 = arith.constant 512 : i32
                %parallel_loop3A_313 = vector.broadcast %parallel_loop3A_312 : i32 to vector<16xi32>
                %parallel_loop3A_314 = arith.cmpi ult, %parallel_loop3A_311, %parallel_loop3A_313 : vector<16xi32>
                %parallel_loop3A_315 = arith.constant 1 : i32
                %parallel_loop3A_316 = vector.broadcast %parallel_loop3A_315 : i32 to vector<16xi32>
                %parallel_loop3A_317 = arith.addi %parallel_loop3A_274, %parallel_loop3A_316 : vector<16xi32>
                %parallel_loop3A_318 = vector.bitcast %parallel_loop3A_317 : vector<16xi32> to vector<16xi32>
                %parallel_loop3A_319 = arith.constant 512 : i32
                %parallel_loop3A_320 = vector.broadcast %parallel_loop3A_319 : i32 to vector<16xi32>
                %parallel_loop3A_321 = arith.cmpi ult, %parallel_loop3A_318, %parallel_loop3A_320 : vector<16xi32>
                %parallel_loop3A_322 = arith.andi %parallel_loop3A_314, %parallel_loop3A_306 : vector<16xi1>
                %parallel_loop3A_323 = arith.andi %parallel_loop3A_321, %parallel_loop3A_306 : vector<16xi1>
                %parallel_loop3A_324 = arith.andi %parallel_loop3A_314, %parallel_loop3A_310 : vector<16xi1>
                %parallel_loop3A_325 = arith.andi %parallel_loop3A_321, %parallel_loop3A_310 : vector<16xi1>
                %parallel_loop3A_326 = arith.index_cast %while3A_207 : i32 to index
                %parallel_loop3A_327 = arith.index_cast %parallel_loop3A_247 : i32 to index
                %parallel_loop3A_328 = tpu.vector_load %arg9[%parallel_loop3A_326, %parallel_loop3A_327] {strides = array<i32>} : memref<8x512xf32, #tpu.memory_space<vmem>>, vector<16xf32>,
                %parallel_loop3A_329 = math.exp %parallel_loop3A_328 : vector<16xf32>
                %parallel_loop3A_330 = arith.mulf %parallel_loop3A_294, %parallel_loop3A_297 : vector<16xf32>
                %parallel_loop3A_331 = arith.mulf %parallel_loop3A_330, %parallel_loop3A_329 : vector<16xf32>
                %parallel_loop3A_332 = arith.mulf %parallel_loop3A_290, %parallel_loop3A_297 : vector<16xf32>
                %parallel_loop3A_333 = arith.mulf %parallel_loop3A_332, %parallel_loop3A_329 : vector<16xf32>
                %parallel_loop3A_334 = arith.mulf %parallel_loop3A_294, %parallel_loop3A_291 : vector<16xf32>
                %parallel_loop3A_335 = arith.mulf %parallel_loop3A_334, %parallel_loop3A_329 : vector<16xf32>
                %parallel_loop3A_336 = arith.mulf %parallel_loop3A_290, %parallel_loop3A_291 : vector<16xf32>
                %parallel_loop3A_337 = arith.mulf %parallel_loop3A_336, %parallel_loop3A_329 : vector<16xf32>
                %parallel_loop3A_338 = arith.constant 512 : i32
                %parallel_loop3A_339 = vector.broadcast %parallel_loop3A_338 : i32 to vector<16xi32>
                %parallel_loop3A_340 = arith.muli %parallel_loop3A_299, %parallel_loop3A_339 : vector<16xi32>
                %parallel_loop3A_341 = arith.addi %parallel_loop3A_340, %parallel_loop3A_274 : vector<16xi32>
                %parallel_loop3A_342 = arith.constant 1 : i32
                %parallel_loop3A_343 = vector.broadcast %parallel_loop3A_342 : i32 to vector<16xi32>
                %parallel_loop3A_344 = arith.addi %parallel_loop3A_341, %parallel_loop3A_343 : vector<16xi32>
                %parallel_loop3A_345 = arith.constant 512 : i32
                %parallel_loop3A_346 = vector.broadcast %parallel_loop3A_345 : i32 to vector<16xi32>
                %parallel_loop3A_347 = arith.addi %parallel_loop3A_341, %parallel_loop3A_346 : vector<16xi32>
                %parallel_loop3A_348 = arith.constant 512 : i32
                %parallel_loop3A_349 = vector.broadcast %parallel_loop3A_348 : i32 to vector<16xi32>
                %parallel_loop3A_350 = arith.addi %parallel_loop3A_341, %parallel_loop3A_349 : vector<16xi32>
                %parallel_loop3A_351 = arith.constant 1 : i32
                %parallel_loop3A_352 = vector.broadcast %parallel_loop3A_351 : i32 to vector<16xi32>
                %parallel_loop3A_353 = arith.addi %parallel_loop3A_350, %parallel_loop3A_352 : vector<16xi32>
                %parallel_loop3A_354 = arith.constant 65536 : i32
                %parallel_loop3A_355 = tpu.memref_slice %arg6[%parallel_loop3A_354] : memref<73728xf32, #tpu.memory_space<vmem>> -> memref<8192xf32, #tpu.memory_space<vmem>>
                tpu.vector_store_idx %parallel_loop3A_355[%parallel_loop3A_341], %parallel_loop3A_331 masked %parallel_loop3A_322 {add = true} : memref<8192xf32, #tpu.memory_space<vmem>>[vector<16xi32>], vector<16xf32>, vector<16xi1>
                %parallel_loop3A_356 = arith.constant 65536 : i32
                %parallel_loop3A_357 = tpu.memref_slice %arg6[%parallel_loop3A_356] : memref<73728xf32, #tpu.memory_space<vmem>> -> memref<8192xf32, #tpu.memory_space<vmem>>
                tpu.vector_store_idx %parallel_loop3A_357[%parallel_loop3A_344], %parallel_loop3A_333 masked %parallel_loop3A_323 {add = true} : memref<8192xf32, #tpu.memory_space<vmem>>[vector<16xi32>], vector<16xf32>, vector<16xi1>
                %parallel_loop3A_358 = arith.constant 65536 : i32
                %parallel_loop3A_359 = tpu.memref_slice %arg6[%parallel_loop3A_358] : memref<73728xf32, #tpu.memory_space<vmem>> -> memref<8192xf32, #tpu.memory_space<vmem>>
                tpu.vector_store_idx %parallel_loop3A_359[%parallel_loop3A_347], %parallel_loop3A_335 masked %parallel_loop3A_324 {add = true} : memref<8192xf32, #tpu.memory_space<vmem>>[vector<16xi32>], vector<16xf32>, vector<16xi1>
                %parallel_loop3A_360 = arith.constant 65536 : i32
                %parallel_loop3A_361 = tpu.memref_slice %arg6[%parallel_loop3A_360] : memref<73728xf32, #tpu.memory_space<vmem>> -> memref<8192xf32, #tpu.memory_space<vmem>>
                tpu.vector_store_idx %parallel_loop3A_361[%parallel_loop3A_353], %parallel_loop3A_337 masked %parallel_loop3A_325 {add = true} : memref<8192xf32, #tpu.memory_space<vmem>>[vector<16xi32>], vector<16xf32>, vector<16xi1>
                %parallel_loop3A_362 = arith.constant 0 : i32
                %parallel_loop3A_363 = arith.index_cast %parallel_loop3A_362 : i32 to index
                %parallel_loop3A_364 = arith.index_cast %while3A_207 : i32 to index
                %parallel_loop3A_365 = arith.index_cast %parallel_loop3A_247 : i32 to index
                %parallel_loop3A_366 = tpu.vector_load %arg7[%parallel_loop3A_363, %parallel_loop3A_364, %parallel_loop3A_365] {strides = array<i32>} : memref<8x8x512xf32, #tpu.memory_space<vmem>>, vector<16xf32>,
                %parallel_loop3A_367 = arith.mulf %parallel_loop3A_366, %parallel_loop3A_331 : vector<16xf32>
                %parallel_loop3A_368 = arith.constant 0 : i32
                %parallel_loop3A_369 = tpu.memref_slice %arg6[%parallel_loop3A_368] : memref<73728xf32, #tpu.memory_space<vmem>> -> memref<8192xf32, #tpu.memory_space<vmem>>
                tpu.vector_store_idx %parallel_loop3A_369[%parallel_loop3A_341], %parallel_loop3A_367 masked %parallel_loop3A_322 {add = true} : memref<8192xf32, #tpu.memory_space<vmem>>[vector<16xi32>], vector<16xf32>, vector<16xi1>
                %parallel_loop3A_370 = arith.mulf %parallel_loop3A_366, %parallel_loop3A_333 : vector<16xf32>
                %parallel_loop3A_371 = arith.constant 0 : i32
                %parallel_loop3A_372 = tpu.memref_slice %arg6[%parallel_loop3A_371] : memref<73728xf32, #tpu.memory_space<vmem>> -> memref<8192xf32, #tpu.memory_space<vmem>>
                tpu.vector_store_idx %parallel_loop3A_372[%parallel_loop3A_344], %parallel_loop3A_370 masked %parallel_loop3A_323 {add = true} : memref<8192xf32, #tpu.memory_space<vmem>>[vector<16xi32>], vector<16xf32>, vector<16xi1>
                %parallel_loop3A_373 = arith.mulf %parallel_loop3A_366, %parallel_loop3A_335 : vector<16xf32>
                %parallel_loop3A_374 = arith.constant 0 : i32
                %parallel_loop3A_375 = tpu.memref_slice %arg6[%parallel_loop3A_374] : memref<73728xf32, #tpu.memory_space<vmem>> -> memref<8192xf32, #tpu.memory_space<vmem>>
                tpu.vector_store_idx %parallel_loop3A_375[%parallel_loop3A_347], %parallel_loop3A_373 masked %parallel_loop3A_324 {add = true} : memref<8192xf32, #tpu.memory_space<vmem>>[vector<16xi32>], vector<16xf32>, vector<16xi1>
                %parallel_loop3A_376 = arith.mulf %parallel_loop3A_366, %parallel_loop3A_337 : vector<16xf32>
                %parallel_loop3A_377 = arith.constant 0 : i32
                %parallel_loop3A_378 = tpu.memref_slice %arg6[%parallel_loop3A_377] : memref<73728xf32, #tpu.memory_space<vmem>> -> memref<8192xf32, #tpu.memory_space<vmem>>
                tpu.vector_store_idx %parallel_loop3A_378[%parallel_loop3A_353], %parallel_loop3A_376 masked %parallel_loop3A_325 {add = true} : memref<8192xf32, #tpu.memory_space<vmem>>[vector<16xi32>], vector<16xf32>, vector<16xi1>
                %parallel_loop3A_379 = arith.constant 1 : i32
                %parallel_loop3A_380 = arith.index_cast %parallel_loop3A_379 : i32 to index
                %parallel_loop3A_381 = arith.index_cast %while3A_207 : i32 to index
                %parallel_loop3A_382 = arith.index_cast %parallel_loop3A_247 : i32 to index
                %parallel_loop3A_383 = tpu.vector_load %arg7[%parallel_loop3A_380, %parallel_loop3A_381, %parallel_loop3A_382] {strides = array<i32>} : memref<8x8x512xf32, #tpu.memory_space<vmem>>, vector<16xf32>,
                %parallel_loop3A_384 = arith.mulf %parallel_loop3A_383, %parallel_loop3A_331 : vector<16xf32>
                %parallel_loop3A_385 = arith.constant 8192 : i32
                %parallel_loop3A_386 = tpu.memref_slice %arg6[%parallel_loop3A_385] : memref<73728xf32, #tpu.memory_space<vmem>> -> memref<8192xf32, #tpu.memory_space<vmem>>
                tpu.vector_store_idx %parallel_loop3A_386[%parallel_loop3A_341], %parallel_loop3A_384 masked %parallel_loop3A_322 {add = true} : memref<8192xf32, #tpu.memory_space<vmem>>[vector<16xi32>], vector<16xf32>, vector<16xi1>
                %parallel_loop3A_387 = arith.mulf %parallel_loop3A_383, %parallel_loop3A_333 : vector<16xf32>
                %parallel_loop3A_388 = arith.constant 8192 : i32
                %parallel_loop3A_389 = tpu.memref_slice %arg6[%parallel_loop3A_388] : memref<73728xf32, #tpu.memory_space<vmem>> -> memref<8192xf32, #tpu.memory_space<vmem>>
                tpu.vector_store_idx %parallel_loop3A_389[%parallel_loop3A_344], %parallel_loop3A_387 masked %parallel_loop3A_323 {add = true} : memref<8192xf32, #tpu.memory_space<vmem>>[vector<16xi32>], vector<16xf32>, vector<16xi1>
                %parallel_loop3A_390 = arith.mulf %parallel_loop3A_383, %parallel_loop3A_335 : vector<16xf32>
                %parallel_loop3A_391 = arith.constant 8192 : i32
                %parallel_loop3A_392 = tpu.memref_slice %arg6[%parallel_loop3A_391] : memref<73728xf32, #tpu.memory_space<vmem>> -> memref<8192xf32, #tpu.memory_space<vmem>>
                tpu.vector_store_idx %parallel_loop3A_392[%parallel_loop3A_347], %parallel_loop3A_390 masked %parallel_loop3A_324 {add = true} : memref<8192xf32, #tpu.memory_space<vmem>>[vector<16xi32>], vector<16xf32>, vector<16xi1>
                %parallel_loop3A_393 = arith.mulf %parallel_loop3A_383, %parallel_loop3A_337 : vector<16xf32>
                %parallel_loop3A_394 = arith.constant 8192 : i32
                %parallel_loop3A_395 = tpu.memref_slice %arg6[%parallel_loop3A_394] : memref<73728xf32, #tpu.memory_space<vmem>> -> memref<8192xf32, #tpu.memory_space<vmem>>
                tpu.vector_store_idx %parallel_loop3A_395[%parallel_loop3A_353], %parallel_loop3A_393 masked %parallel_loop3A_325 {add = true} : memref<8192xf32, #tpu.memory_space<vmem>>[vector<16xi32>], vector<16xf32>, vector<16xi1>
                %parallel_loop3A_396 = arith.constant 2 : i32
                %parallel_loop3A_397 = arith.index_cast %parallel_loop3A_396 : i32 to index
                %parallel_loop3A_398 = arith.index_cast %while3A_207 : i32 to index
                %parallel_loop3A_399 = arith.index_cast %parallel_loop3A_247 : i32 to index
                %parallel_loop3A_400 = tpu.vector_load %arg7[%parallel_loop3A_397, %parallel_loop3A_398, %parallel_loop3A_399] {strides = array<i32>} : memref<8x8x512xf32, #tpu.memory_space<vmem>>, vector<16xf32>,
                %parallel_loop3A_401 = arith.mulf %parallel_loop3A_400, %parallel_loop3A_331 : vector<16xf32>
                %parallel_loop3A_402 = arith.constant 16384 : i32
                %parallel_loop3A_403 = tpu.memref_slice %arg6[%parallel_loop3A_402] : memref<73728xf32, #tpu.memory_space<vmem>> -> memref<8192xf32, #tpu.memory_space<vmem>>
                tpu.vector_store_idx %parallel_loop3A_403[%parallel_loop3A_341], %parallel_loop3A_401 masked %parallel_loop3A_322 {add = true} : memref<8192xf32, #tpu.memory_space<vmem>>[vector<16xi32>], vector<16xf32>, vector<16xi1>
                %parallel_loop3A_404 = arith.mulf %parallel_loop3A_400, %parallel_loop3A_333 : vector<16xf32>
                %parallel_loop3A_405 = arith.constant 16384 : i32
                %parallel_loop3A_406 = tpu.memref_slice %arg6[%parallel_loop3A_405] : memref<73728xf32, #tpu.memory_space<vmem>> -> memref<8192xf32, #tpu.memory_space<vmem>>
                tpu.vector_store_idx %parallel_loop3A_406[%parallel_loop3A_344], %parallel_loop3A_404 masked %parallel_loop3A_323 {add = true} : memref<8192xf32, #tpu.memory_space<vmem>>[vector<16xi32>], vector<16xf32>, vector<16xi1>
                %parallel_loop3A_407 = arith.mulf %parallel_loop3A_400, %parallel_loop3A_335 : vector<16xf32>
                %parallel_loop3A_408 = arith.constant 16384 : i32
                %parallel_loop3A_409 = tpu.memref_slice %arg6[%parallel_loop3A_408] : memref<73728xf32, #tpu.memory_space<vmem>> -> memref<8192xf32, #tpu.memory_space<vmem>>
                tpu.vector_store_idx %parallel_loop3A_409[%parallel_loop3A_347], %parallel_loop3A_407 masked %parallel_loop3A_324 {add = true} : memref<8192xf32, #tpu.memory_space<vmem>>[vector<16xi32>], vector<16xf32>, vector<16xi1>
                %parallel_loop3A_410 = arith.mulf %parallel_loop3A_400, %parallel_loop3A_337 : vector<16xf32>
                %parallel_loop3A_411 = arith.constant 16384 : i32
                %parallel_loop3A_412 = tpu.memref_slice %arg6[%parallel_loop3A_411] : memref<73728xf32, #tpu.memory_space<vmem>> -> memref<8192xf32, #tpu.memory_space<vmem>>
                tpu.vector_store_idx %parallel_loop3A_412[%parallel_loop3A_353], %parallel_loop3A_410 masked %parallel_loop3A_325 {add = true} : memref<8192xf32, #tpu.memory_space<vmem>>[vector<16xi32>], vector<16xf32>, vector<16xi1>
                %parallel_loop3A_413 = arith.constant 3 : i32
                %parallel_loop3A_414 = arith.index_cast %parallel_loop3A_413 : i32 to index
                %parallel_loop3A_415 = arith.index_cast %while3A_207 : i32 to index
                %parallel_loop3A_416 = arith.index_cast %parallel_loop3A_247 : i32 to index
                %parallel_loop3A_417 = tpu.vector_load %arg7[%parallel_loop3A_414, %parallel_loop3A_415, %parallel_loop3A_416] {strides = array<i32>} : memref<8x8x512xf32, #tpu.memory_space<vmem>>, vector<16xf32>,
                %parallel_loop3A_418 = arith.mulf %parallel_loop3A_417, %parallel_loop3A_331 : vector<16xf32>
                %parallel_loop3A_419 = arith.constant 24576 : i32
                %parallel_loop3A_420 = tpu.memref_slice %arg6[%parallel_loop3A_419] : memref<73728xf32, #tpu.memory_space<vmem>> -> memref<8192xf32, #tpu.memory_space<vmem>>
                tpu.vector_store_idx %parallel_loop3A_420[%parallel_loop3A_341], %parallel_loop3A_418 masked %parallel_loop3A_322 {add = true} : memref<8192xf32, #tpu.memory_space<vmem>>[vector<16xi32>], vector<16xf32>, vector<16xi1>
                %parallel_loop3A_421 = arith.mulf %parallel_loop3A_417, %parallel_loop3A_333 : vector<16xf32>
                %parallel_loop3A_422 = arith.constant 24576 : i32
                %parallel_loop3A_423 = tpu.memref_slice %arg6[%parallel_loop3A_422] : memref<73728xf32, #tpu.memory_space<vmem>> -> memref<8192xf32, #tpu.memory_space<vmem>>
                tpu.vector_store_idx %parallel_loop3A_423[%parallel_loop3A_344], %parallel_loop3A_421 masked %parallel_loop3A_323 {add = true} : memref<8192xf32, #tpu.memory_space<vmem>>[vector<16xi32>], vector<16xf32>, vector<16xi1>
                %parallel_loop3A_424 = arith.mulf %parallel_loop3A_417, %parallel_loop3A_335 : vector<16xf32>
                %parallel_loop3A_425 = arith.constant 24576 : i32
                %parallel_loop3A_426 = tpu.memref_slice %arg6[%parallel_loop3A_425] : memref<73728xf32, #tpu.memory_space<vmem>> -> memref<8192xf32, #tpu.memory_space<vmem>>
                tpu.vector_store_idx %parallel_loop3A_426[%parallel_loop3A_347], %parallel_loop3A_424 masked %parallel_loop3A_324 {add = true} : memref<8192xf32, #tpu.memory_space<vmem>>[vector<16xi32>], vector<16xf32>, vector<16xi1>
                %parallel_loop3A_427 = arith.mulf %parallel_loop3A_417, %parallel_loop3A_337 : vector<16xf32>
                %parallel_loop3A_428 = arith.constant 24576 : i32
                %parallel_loop3A_429 = tpu.memref_slice %arg6[%parallel_loop3A_428] : memref<73728xf32, #tpu.memory_space<vmem>> -> memref<8192xf32, #tpu.memory_space<vmem>>
                tpu.vector_store_idx %parallel_loop3A_429[%parallel_loop3A_353], %parallel_loop3A_427 masked %parallel_loop3A_325 {add = true} : memref<8192xf32, #tpu.memory_space<vmem>>[vector<16xi32>], vector<16xf32>, vector<16xi1>
                %parallel_loop3A_430 = arith.constant 4 : i32
                %parallel_loop3A_431 = arith.index_cast %parallel_loop3A_430 : i32 to index
                %parallel_loop3A_432 = arith.index_cast %while3A_207 : i32 to index
                %parallel_loop3A_433 = arith.index_cast %parallel_loop3A_247 : i32 to index
                %parallel_loop3A_434 = tpu.vector_load %arg7[%parallel_loop3A_431, %parallel_loop3A_432, %parallel_loop3A_433] {strides = array<i32>} : memref<8x8x512xf32, #tpu.memory_space<vmem>>, vector<16xf32>,
                %parallel_loop3A_435 = arith.mulf %parallel_loop3A_434, %parallel_loop3A_331 : vector<16xf32>
                %parallel_loop3A_436 = arith.constant 32768 : i32
                %parallel_loop3A_437 = tpu.memref_slice %arg6[%parallel_loop3A_436] : memref<73728xf32, #tpu.memory_space<vmem>> -> memref<8192xf32, #tpu.memory_space<vmem>>
                tpu.vector_store_idx %parallel_loop3A_437[%parallel_loop3A_341], %parallel_loop3A_435 masked %parallel_loop3A_322 {add = true} : memref<8192xf32, #tpu.memory_space<vmem>>[vector<16xi32>], vector<16xf32>, vector<16xi1>
                %parallel_loop3A_438 = arith.mulf %parallel_loop3A_434, %parallel_loop3A_333 : vector<16xf32>
                %parallel_loop3A_439 = arith.constant 32768 : i32
                %parallel_loop3A_440 = tpu.memref_slice %arg6[%parallel_loop3A_439] : memref<73728xf32, #tpu.memory_space<vmem>> -> memref<8192xf32, #tpu.memory_space<vmem>>
                tpu.vector_store_idx %parallel_loop3A_440[%parallel_loop3A_344], %parallel_loop3A_438 masked %parallel_loop3A_323 {add = true} : memref<8192xf32, #tpu.memory_space<vmem>>[vector<16xi32>], vector<16xf32>, vector<16xi1>
                %parallel_loop3A_441 = arith.mulf %parallel_loop3A_434, %parallel_loop3A_335 : vector<16xf32>
                %parallel_loop3A_442 = arith.constant 32768 : i32
                %parallel_loop3A_443 = tpu.memref_slice %arg6[%parallel_loop3A_442] : memref<73728xf32, #tpu.memory_space<vmem>> -> memref<8192xf32, #tpu.memory_space<vmem>>
                tpu.vector_store_idx %parallel_loop3A_443[%parallel_loop3A_347], %parallel_loop3A_441 masked %parallel_loop3A_324 {add = true} : memref<8192xf32, #tpu.memory_space<vmem>>[vector<16xi32>], vector<16xf32>, vector<16xi1>
                %parallel_loop3A_444 = arith.mulf %parallel_loop3A_434, %parallel_loop3A_337 : vector<16xf32>
                %parallel_loop3A_445 = arith.constant 32768 : i32
                %parallel_loop3A_446 = tpu.memref_slice %arg6[%parallel_loop3A_445] : memref<73728xf32, #tpu.memory_space<vmem>> -> memref<8192xf32, #tpu.memory_space<vmem>>
                tpu.vector_store_idx %parallel_loop3A_446[%parallel_loop3A_353], %parallel_loop3A_444 masked %parallel_loop3A_325 {add = true} : memref<8192xf32, #tpu.memory_space<vmem>>[vector<16xi32>], vector<16xf32>, vector<16xi1>
                %parallel_loop3A_447 = arith.constant 5 : i32
                %parallel_loop3A_448 = arith.index_cast %parallel_loop3A_447 : i32 to index
                %parallel_loop3A_449 = arith.index_cast %while3A_207 : i32 to index
                %parallel_loop3A_450 = arith.index_cast %parallel_loop3A_247 : i32 to index
                %parallel_loop3A_451 = tpu.vector_load %arg7[%parallel_loop3A_448, %parallel_loop3A_449, %parallel_loop3A_450] {strides = array<i32>} : memref<8x8x512xf32, #tpu.memory_space<vmem>>, vector<16xf32>,
                %parallel_loop3A_452 = arith.mulf %parallel_loop3A_451, %parallel_loop3A_331 : vector<16xf32>
                %parallel_loop3A_453 = arith.constant 40960 : i32
                %parallel_loop3A_454 = tpu.memref_slice %arg6[%parallel_loop3A_453] : memref<73728xf32, #tpu.memory_space<vmem>> -> memref<8192xf32, #tpu.memory_space<vmem>>
                tpu.vector_store_idx %parallel_loop3A_454[%parallel_loop3A_341], %parallel_loop3A_452 masked %parallel_loop3A_322 {add = true} : memref<8192xf32, #tpu.memory_space<vmem>>[vector<16xi32>], vector<16xf32>, vector<16xi1>
                %parallel_loop3A_455 = arith.mulf %parallel_loop3A_451, %parallel_loop3A_333 : vector<16xf32>
                %parallel_loop3A_456 = arith.constant 40960 : i32
                %parallel_loop3A_457 = tpu.memref_slice %arg6[%parallel_loop3A_456] : memref<73728xf32, #tpu.memory_space<vmem>> -> memref<8192xf32, #tpu.memory_space<vmem>>
                tpu.vector_store_idx %parallel_loop3A_457[%parallel_loop3A_344], %parallel_loop3A_455 masked %parallel_loop3A_323 {add = true} : memref<8192xf32, #tpu.memory_space<vmem>>[vector<16xi32>], vector<16xf32>, vector<16xi1>
                %parallel_loop3A_458 = arith.mulf %parallel_loop3A_451, %parallel_loop3A_335 : vector<16xf32>
                %parallel_loop3A_459 = arith.constant 40960 : i32
                %parallel_loop3A_460 = tpu.memref_slice %arg6[%parallel_loop3A_459] : memref<73728xf32, #tpu.memory_space<vmem>> -> memref<8192xf32, #tpu.memory_space<vmem>>
                tpu.vector_store_idx %parallel_loop3A_460[%parallel_loop3A_347], %parallel_loop3A_458 masked %parallel_loop3A_324 {add = true} : memref<8192xf32, #tpu.memory_space<vmem>>[vector<16xi32>], vector<16xf32>, vector<16xi1>
                %parallel_loop3A_461 = arith.mulf %parallel_loop3A_451, %parallel_loop3A_337 : vector<16xf32>
                %parallel_loop3A_462 = arith.constant 40960 : i32
                %parallel_loop3A_463 = tpu.memref_slice %arg6[%parallel_loop3A_462] : memref<73728xf32, #tpu.memory_space<vmem>> -> memref<8192xf32, #tpu.memory_space<vmem>>
                tpu.vector_store_idx %parallel_loop3A_463[%parallel_loop3A_353], %parallel_loop3A_461 masked %parallel_loop3A_325 {add = true} : memref<8192xf32, #tpu.memory_space<vmem>>[vector<16xi32>], vector<16xf32>, vector<16xi1>
                %parallel_loop3A_464 = arith.constant 6 : i32
                %parallel_loop3A_465 = arith.index_cast %parallel_loop3A_464 : i32 to index
                %parallel_loop3A_466 = arith.index_cast %while3A_207 : i32 to index
                %parallel_loop3A_467 = arith.index_cast %parallel_loop3A_247 : i32 to index
                %parallel_loop3A_468 = tpu.vector_load %arg7[%parallel_loop3A_465, %parallel_loop3A_466, %parallel_loop3A_467] {strides = array<i32>} : memref<8x8x512xf32, #tpu.memory_space<vmem>>, vector<16xf32>,
                %parallel_loop3A_469 = arith.mulf %parallel_loop3A_468, %parallel_loop3A_331 : vector<16xf32>
                %parallel_loop3A_470 = arith.constant 49152 : i32
                %parallel_loop3A_471 = tpu.memref_slice %arg6[%parallel_loop3A_470] : memref<73728xf32, #tpu.memory_space<vmem>> -> memref<8192xf32, #tpu.memory_space<vmem>>
                tpu.vector_store_idx %parallel_loop3A_471[%parallel_loop3A_341], %parallel_loop3A_469 masked %parallel_loop3A_322 {add = true} : memref<8192xf32, #tpu.memory_space<vmem>>[vector<16xi32>], vector<16xf32>, vector<16xi1>
                %parallel_loop3A_472 = arith.mulf %parallel_loop3A_468, %parallel_loop3A_333 : vector<16xf32>
                %parallel_loop3A_473 = arith.constant 49152 : i32
                %parallel_loop3A_474 = tpu.memref_slice %arg6[%parallel_loop3A_473] : memref<73728xf32, #tpu.memory_space<vmem>> -> memref<8192xf32, #tpu.memory_space<vmem>>
                tpu.vector_store_idx %parallel_loop3A_474[%parallel_loop3A_344], %parallel_loop3A_472 masked %parallel_loop3A_323 {add = true} : memref<8192xf32, #tpu.memory_space<vmem>>[vector<16xi32>], vector<16xf32>, vector<16xi1>
                %parallel_loop3A_475 = arith.mulf %parallel_loop3A_468, %parallel_loop3A_335 : vector<16xf32>
                %parallel_loop3A_476 = arith.constant 49152 : i32
                %parallel_loop3A_477 = tpu.memref_slice %arg6[%parallel_loop3A_476] : memref<73728xf32, #tpu.memory_space<vmem>> -> memref<8192xf32, #tpu.memory_space<vmem>>
                tpu.vector_store_idx %parallel_loop3A_477[%parallel_loop3A_347], %parallel_loop3A_475 masked %parallel_loop3A_324 {add = true} : memref<8192xf32, #tpu.memory_space<vmem>>[vector<16xi32>], vector<16xf32>, vector<16xi1>
                %parallel_loop3A_478 = arith.mulf %parallel_loop3A_468, %parallel_loop3A_337 : vector<16xf32>
                %parallel_loop3A_479 = arith.constant 49152 : i32
                %parallel_loop3A_480 = tpu.memref_slice %arg6[%parallel_loop3A_479] : memref<73728xf32, #tpu.memory_space<vmem>> -> memref<8192xf32, #tpu.memory_space<vmem>>
                tpu.vector_store_idx %parallel_loop3A_480[%parallel_loop3A_353], %parallel_loop3A_478 masked %parallel_loop3A_325 {add = true} : memref<8192xf32, #tpu.memory_space<vmem>>[vector<16xi32>], vector<16xf32>, vector<16xi1>
                %parallel_loop3A_481 = arith.constant 7 : i32
                %parallel_loop3A_482 = arith.index_cast %parallel_loop3A_481 : i32 to index
                %parallel_loop3A_483 = arith.index_cast %while3A_207 : i32 to index
                %parallel_loop3A_484 = arith.index_cast %parallel_loop3A_247 : i32 to index
                %parallel_loop3A_485 = tpu.vector_load %arg7[%parallel_loop3A_482, %parallel_loop3A_483, %parallel_loop3A_484] {strides = array<i32>} : memref<8x8x512xf32, #tpu.memory_space<vmem>>, vector<16xf32>,
                %parallel_loop3A_486 = arith.mulf %parallel_loop3A_485, %parallel_loop3A_331 : vector<16xf32>
                %parallel_loop3A_487 = arith.constant 57344 : i32
                %parallel_loop3A_488 = tpu.memref_slice %arg6[%parallel_loop3A_487] : memref<73728xf32, #tpu.memory_space<vmem>> -> memref<8192xf32, #tpu.memory_space<vmem>>
                tpu.vector_store_idx %parallel_loop3A_488[%parallel_loop3A_341], %parallel_loop3A_486 masked %parallel_loop3A_322 {add = true} : memref<8192xf32, #tpu.memory_space<vmem>>[vector<16xi32>], vector<16xf32>, vector<16xi1>
                %parallel_loop3A_489 = arith.mulf %parallel_loop3A_485, %parallel_loop3A_333 : vector<16xf32>
                %parallel_loop3A_490 = arith.constant 57344 : i32
                %parallel_loop3A_491 = tpu.memref_slice %arg6[%parallel_loop3A_490] : memref<73728xf32, #tpu.memory_space<vmem>> -> memref<8192xf32, #tpu.memory_space<vmem>>
                tpu.vector_store_idx %parallel_loop3A_491[%parallel_loop3A_344], %parallel_loop3A_489 masked %parallel_loop3A_323 {add = true} : memref<8192xf32, #tpu.memory_space<vmem>>[vector<16xi32>], vector<16xf32>, vector<16xi1>
                %parallel_loop3A_492 = arith.mulf %parallel_loop3A_485, %parallel_loop3A_335 : vector<16xf32>
                %parallel_loop3A_493 = arith.constant 57344 : i32
                %parallel_loop3A_494 = tpu.memref_slice %arg6[%parallel_loop3A_493] : memref<73728xf32, #tpu.memory_space<vmem>> -> memref<8192xf32, #tpu.memory_space<vmem>>
                tpu.vector_store_idx %parallel_loop3A_494[%parallel_loop3A_347], %parallel_loop3A_492 masked %parallel_loop3A_324 {add = true} : memref<8192xf32, #tpu.memory_space<vmem>>[vector<16xi32>], vector<16xf32>, vector<16xi1>
                %parallel_loop3A_495 = arith.mulf %parallel_loop3A_485, %parallel_loop3A_337 : vector<16xf32>
                %parallel_loop3A_496 = arith.constant 57344 : i32
                %parallel_loop3A_497 = tpu.memref_slice %arg6[%parallel_loop3A_496] : memref<73728xf32, #tpu.memory_space<vmem>> -> memref<8192xf32, #tpu.memory_space<vmem>>
                tpu.vector_store_idx %parallel_loop3A_497[%parallel_loop3A_353], %parallel_loop3A_495 masked %parallel_loop3A_325 {add = true} : memref<8192xf32, #tpu.memory_space<vmem>>[vector<16xi32>], vector<16xf32>, vector<16xi1>
              } {sc.loop_unroll_factor = 6 : i64, sc.parallel_access}
            } else {
            }
            %while3A_241 = arith.constant 0 : i32
            scf.yield %while3A_241 : i32
          }
          %while3A_205 = arith.constant 1 : i32
          %while3A_206 = scf.for %while3A_207 = %while3A_202 to %while3A_198 step %while3A_205 iter_args(%while3A_208 = %while3A_204) -> (i32)  : i32 {
            %add3A_209 = arith.addi %multiple_of3A_142, %while3A_207 : i32
            %convert_element_type3A_210 = arith.sitofp %add3A_209 : i32 to f32
            %neg3A = arith.constant 0.000000e+00 : f32
            %neg3A_211 = arith.constant 1.000000e+30 : f32
            %neg3A_212 = arith.subf %neg3A, %neg3A_211 : f32
            %broadcast_in_dim3A_213 = vector.broadcast %neg3A_212 : f32 to vector<16xf32>
            %broadcast_in_dim3A_214 = arith.constant 1.000000e+30 : f32
            %broadcast_in_dim3A_215 = vector.broadcast %broadcast_in_dim3A_214 : f32 to vector<16xf32>
            %scan3A_216 = arith.constant 0 : i32
            %scan3A_217 = arith.constant 32 : i32
            %scan3A_218 = arith.addi %scan3A_216, %scan3A_217 : i32
            %scan3A_219 = arith.constant 1 : i32
            %scan3A_220:2 = scf.for %scan3A_242 = %scan3A_216 to %scan3A_218 step %scan3A_219 iter_args(%scan3A_243 = %broadcast_in_dim3A_213, %scan3A_244 = %broadcast_in_dim3A_215) -> (vector<16xf32>, vector<16xf32>)  : i32 {
              %mul3A_245 = arith.constant 16 : i32
              %mul3A_246 = arith.muli %scan3A_242, %mul3A_245 : i32
              %get3A = arith.constant 1 : i32
              %get3A_247 = arith.index_cast %rem3A_144 : i32 to index
              %get3A_248 = arith.index_cast %get3A : i32 to index
              %get3A_249 = arith.index_cast %while3A_207 : i32 to index
              %get3A_250 = arith.index_cast %mul3A_246 : i32 to index
              %get3A_251 = tpu.vector_load %arg8[%get3A_247, %get3A_248, %get3A_249, %get3A_250] {strides = array<i32>} : memref<2x2x8x512xf32, #tpu.memory_space<vmem>>, vector<16xf32>,
              %max3A_252 = arith.maximumf %scan3A_243, %get3A_251 : vector<16xf32>
              %min3A_253 = arith.minimumf %scan3A_244, %get3A_251 : vector<16xf32>
              scf.yield %max3A_252, %min3A_253 : vector<16xf32>, vector<16xf32>
            }
            %scan3A_221 = arith.constant 32 : i32
            %reduce_max3A = arith.constant true
            %reduce_max3A_222 = vector.broadcast %reduce_max3A : i1 to vector<16xi1>
            %reduce_max3A_223 = tpu.scan <max>, %scan3A_220#0 masked %reduce_max3A_222 : vector<16xf32>, vector<16xi1> -> vector<16xf32>
            %reduce_max3A_224 = vector.extract %reduce_max3A_223[15] : f32 from vector<16xf32>
            %reduce_min3A = arith.constant true
            %reduce_min3A_225 = vector.broadcast %reduce_min3A : i1 to vector<16xi1>
            %reduce_min3A_226 = tpu.scan <min>, %scan3A_220#1 masked %reduce_min3A_225 : vector<16xf32>, vector<16xi1> -> vector<16xf32>
            %reduce_min3A_227 = vector.extract %reduce_min3A_226[15] : f32 from vector<16xf32>
            %add3A_228 = arith.addf %convert_element_type3A_210, %reduce_max3A_224 : f32
            %sub3A_229 = arith.constant 1 : i32
            %sub3A_230 = arith.subi %mul3A_68, %sub3A_229 : i32
            %convert_element_type3A_231 = arith.sitofp %sub3A_230 : i32 to f32
            %ge3A = arith.cmpf oge, %add3A_228, %convert_element_type3A_231 : f32
            %add3A_232 = arith.addf %convert_element_type3A_210, %reduce_min3A_227 : f32
            %add3A_233 = arith.constant 16 : i32
            %add3A_234 = arith.addi %mul3A_68, %add3A_233 : i32
            %convert_element_type3A_235 = arith.sitofp %add3A_234 : i32 to f32
            %lt3A_236 = arith.cmpf olt, %add3A_232, %convert_element_type3A_235 : f32
            %and3A_237 = arith.andi %ge3A, %lt3A_236 : i1
            %convert_element_type3A_238 = arith.extui %and3A_237 : i1 to i32
            %cond3A_239 = arith.constant 0 : i32
            %cond3A_240 = arith.cmpi ne, %convert_element_type3A_238, %cond3A_239 : i32
            scf.if %cond3A_240 {
              %parallel_loop3A_242 = arith.constant 0 : i32
              %parallel_loop3A_243 = arith.constant 32 : i32
              %parallel_loop3A_244 = arith.constant 1 : i32
              scf.for %parallel_loop3A_245 = %parallel_loop3A_242 to %parallel_loop3A_243 step %parallel_loop3A_244  : i32 {
                %parallel_loop3A_246 = arith.constant 16 : i32
                %parallel_loop3A_247 = arith.muli %parallel_loop3A_245, %parallel_loop3A_246 : i32
                %parallel_loop3A_248 = arith.constant 16 : i32
                %parallel_loop3A_249 = arith.muli %parallel_loop3A_245, %parallel_loop3A_248 : i32
                %parallel_loop3A_250 = vector.broadcast %parallel_loop3A_249 : i32 to vector<16xi32>
                %parallel_loop3A_251 = arith.addi %parallel_loop3A_250, %iota3A : vector<16xi32>
                %parallel_loop3A_252 = arith.sitofp %parallel_loop3A_251 : vector<16xi32> to vector<16xf32>
                %parallel_loop3A_253 = arith.constant 0 : i32
                %parallel_loop3A_254 = arith.index_cast %rem3A_144 : i32 to index
                %parallel_loop3A_255 = arith.index_cast %parallel_loop3A_253 : i32 to index
                %parallel_loop3A_256 = arith.index_cast %while3A_207 : i32 to index
                %parallel_loop3A_257 = arith.index_cast %parallel_loop3A_247 : i32 to index
                %parallel_loop3A_258 = tpu.vector_load %arg8[%parallel_loop3A_254, %parallel_loop3A_255, %parallel_loop3A_256, %parallel_loop3A_257] {strides = array<i32>} : memref<2x2x8x512xf32, #tpu.memory_space<vmem>>, vector<16xf32>,
                %parallel_loop3A_259 = arith.addf %parallel_loop3A_258, %parallel_loop3A_252 : vector<16xf32>
                %parallel_loop3A_260 = arith.constant 1 : i32
                %parallel_loop3A_261 = arith.index_cast %rem3A_144 : i32 to index
                %parallel_loop3A_262 = arith.index_cast %parallel_loop3A_260 : i32 to index
                %parallel_loop3A_263 = arith.index_cast %while3A_207 : i32 to index
                %parallel_loop3A_264 = arith.index_cast %parallel_loop3A_247 : i32 to index
                %parallel_loop3A_265 = tpu.vector_load %arg8[%parallel_loop3A_261, %parallel_loop3A_262, %parallel_loop3A_263, %parallel_loop3A_264] {strides = array<i32>} : memref<2x2x8x512xf32, #tpu.memory_space<vmem>>, vector<16xf32>,
                %parallel_loop3A_266 = vector.broadcast %convert_element_type3A_210 : f32 to vector<16xf32>
                %parallel_loop3A_267 = arith.addf %parallel_loop3A_265, %parallel_loop3A_266 : vector<16xf32>
                %parallel_loop3A_268 = arith.fptosi %parallel_loop3A_259 : vector<16xf32> to vector<16xi32>
                %parallel_loop3A_269 = arith.sitofp %parallel_loop3A_268 : vector<16xi32> to vector<16xf32>
                %parallel_loop3A_270 = arith.cmpf ogt, %parallel_loop3A_269, %parallel_loop3A_259 : vector<16xf32>
                %parallel_loop3A_271 = arith.constant 1 : i32
                %parallel_loop3A_272 = vector.broadcast %parallel_loop3A_271 : i32 to vector<16xi32>
                %parallel_loop3A_273 = arith.subi %parallel_loop3A_268, %parallel_loop3A_272 : vector<16xi32>
                %parallel_loop3A_274 = arith.select %parallel_loop3A_270, %parallel_loop3A_273, %parallel_loop3A_268 : vector<16xi1>, vector<16xi32>
                %parallel_loop3A_275 = arith.constant 1.000000e+00 : f32
                %parallel_loop3A_276 = vector.broadcast %parallel_loop3A_275 : f32 to vector<16xf32>
                %parallel_loop3A_277 = arith.subf %parallel_loop3A_269, %parallel_loop3A_276 : vector<16xf32>
                %parallel_loop3A_278 = arith.select %parallel_loop3A_270, %parallel_loop3A_277, %parallel_loop3A_269 : vector<16xi1>, vector<16xf32>
                %parallel_loop3A_279 = arith.fptosi %parallel_loop3A_267 : vector<16xf32> to vector<16xi32>
                %parallel_loop3A_280 = arith.sitofp %parallel_loop3A_279 : vector<16xi32> to vector<16xf32>
                %parallel_loop3A_281 = arith.cmpf ogt, %parallel_loop3A_280, %parallel_loop3A_267 : vector<16xf32>
                %parallel_loop3A_282 = arith.constant 1 : i32
                %parallel_loop3A_283 = vector.broadcast %parallel_loop3A_282 : i32 to vector<16xi32>
                %parallel_loop3A_284 = arith.subi %parallel_loop3A_279, %parallel_loop3A_283 : vector<16xi32>
                %parallel_loop3A_285 = arith.select %parallel_loop3A_281, %parallel_loop3A_284, %parallel_loop3A_279 : vector<16xi1>, vector<16xi32>
                %parallel_loop3A_286 = arith.constant 1.000000e+00 : f32
                %parallel_loop3A_287 = vector.broadcast %parallel_loop3A_286 : f32 to vector<16xf32>
                %parallel_loop3A_288 = arith.subf %parallel_loop3A_280, %parallel_loop3A_287 : vector<16xf32>
                %parallel_loop3A_289 = arith.select %parallel_loop3A_281, %parallel_loop3A_288, %parallel_loop3A_280 : vector<16xi1>, vector<16xf32>
                %parallel_loop3A_290 = arith.subf %parallel_loop3A_259, %parallel_loop3A_278 : vector<16xf32>
                %parallel_loop3A_291 = arith.subf %parallel_loop3A_267, %parallel_loop3A_289 : vector<16xf32>
                %parallel_loop3A_292 = arith.constant 1.000000e+00 : f32
                %parallel_loop3A_293 = vector.broadcast %parallel_loop3A_292 : f32 to vector<16xf32>
                %parallel_loop3A_294 = arith.subf %parallel_loop3A_293, %parallel_loop3A_290 : vector<16xf32>
                %parallel_loop3A_295 = arith.constant 1.000000e+00 : f32
                %parallel_loop3A_296 = vector.broadcast %parallel_loop3A_295 : f32 to vector<16xf32>
                %parallel_loop3A_297 = arith.subf %parallel_loop3A_296, %parallel_loop3A_291 : vector<16xf32>
                %parallel_loop3A_298 = vector.broadcast %mul3A_68 : i32 to vector<16xi32>
                %parallel_loop3A_299 = arith.subi %parallel_loop3A_285, %parallel_loop3A_298 : vector<16xi32>
                %parallel_loop3A_300 = arith.constant 1 : i32
                %parallel_loop3A_301 = vector.broadcast %parallel_loop3A_300 : i32 to vector<16xi32>
                %parallel_loop3A_302 = arith.addi %parallel_loop3A_299, %parallel_loop3A_301 : vector<16xi32>
                %parallel_loop3A_303 = vector.bitcast %parallel_loop3A_299 : vector<16xi32> to vector<16xi32>
                %parallel_loop3A_304 = arith.constant 16 : i32
                %parallel_loop3A_305 = vector.broadcast %parallel_loop3A_304 : i32 to vector<16xi32>
                %parallel_loop3A_306 = arith.cmpi ult, %parallel_loop3A_303, %parallel_loop3A_305 : vector<16xi32>
                %parallel_loop3A_307 = vector.bitcast %parallel_loop3A_302 : vector<16xi32> to vector<16xi32>
                %parallel_loop3A_308 = arith.constant 16 : i32
                %parallel_loop3A_309 = vector.broadcast %parallel_loop3A_308 : i32 to vector<16xi32>
                %parallel_loop3A_310 = arith.cmpi ult, %parallel_loop3A_307, %parallel_loop3A_309 : vector<16xi32>
                %parallel_loop3A_311 = vector.bitcast %parallel_loop3A_274 : vector<16xi32> to vector<16xi32>
                %parallel_loop3A_312 = arith.constant 512 : i32
                %parallel_loop3A_313 = vector.broadcast %parallel_loop3A_312 : i32 to vector<16xi32>
                %parallel_loop3A_314 = arith.cmpi ult, %parallel_loop3A_311, %parallel_loop3A_313 : vector<16xi32>
                %parallel_loop3A_315 = arith.constant 1 : i32
                %parallel_loop3A_316 = vector.broadcast %parallel_loop3A_315 : i32 to vector<16xi32>
                %parallel_loop3A_317 = arith.addi %parallel_loop3A_274, %parallel_loop3A_316 : vector<16xi32>
                %parallel_loop3A_318 = vector.bitcast %parallel_loop3A_317 : vector<16xi32> to vector<16xi32>
                %parallel_loop3A_319 = arith.constant 512 : i32
                %parallel_loop3A_320 = vector.broadcast %parallel_loop3A_319 : i32 to vector<16xi32>
                %parallel_loop3A_321 = arith.cmpi ult, %parallel_loop3A_318, %parallel_loop3A_320 : vector<16xi32>
                %parallel_loop3A_322 = arith.andi %parallel_loop3A_314, %parallel_loop3A_306 : vector<16xi1>
                %parallel_loop3A_323 = arith.andi %parallel_loop3A_321, %parallel_loop3A_306 : vector<16xi1>
                %parallel_loop3A_324 = arith.andi %parallel_loop3A_314, %parallel_loop3A_310 : vector<16xi1>
                %parallel_loop3A_325 = arith.andi %parallel_loop3A_321, %parallel_loop3A_310 : vector<16xi1>
                %parallel_loop3A_326 = arith.index_cast %while3A_207 : i32 to index
                %parallel_loop3A_327 = arith.index_cast %parallel_loop3A_247 : i32 to index
                %parallel_loop3A_328 = tpu.vector_load %arg9[%parallel_loop3A_326, %parallel_loop3A_327] {strides = array<i32>} : memref<8x512xf32, #tpu.memory_space<vmem>>, vector<16xf32>,
                %parallel_loop3A_329 = math.exp %parallel_loop3A_328 : vector<16xf32>
                %parallel_loop3A_330 = arith.mulf %parallel_loop3A_294, %parallel_loop3A_297 : vector<16xf32>
                %parallel_loop3A_331 = arith.mulf %parallel_loop3A_330, %parallel_loop3A_329 : vector<16xf32>
                %parallel_loop3A_332 = arith.mulf %parallel_loop3A_290, %parallel_loop3A_297 : vector<16xf32>
                %parallel_loop3A_333 = arith.mulf %parallel_loop3A_332, %parallel_loop3A_329 : vector<16xf32>
                %parallel_loop3A_334 = arith.mulf %parallel_loop3A_294, %parallel_loop3A_291 : vector<16xf32>
                %parallel_loop3A_335 = arith.mulf %parallel_loop3A_334, %parallel_loop3A_329 : vector<16xf32>
                %parallel_loop3A_336 = arith.mulf %parallel_loop3A_290, %parallel_loop3A_291 : vector<16xf32>
                %parallel_loop3A_337 = arith.mulf %parallel_loop3A_336, %parallel_loop3A_329 : vector<16xf32>
                %parallel_loop3A_338 = arith.constant 512 : i32
                %parallel_loop3A_339 = vector.broadcast %parallel_loop3A_338 : i32 to vector<16xi32>
                %parallel_loop3A_340 = arith.muli %parallel_loop3A_299, %parallel_loop3A_339 : vector<16xi32>
                %parallel_loop3A_341 = arith.addi %parallel_loop3A_340, %parallel_loop3A_274 : vector<16xi32>
                %parallel_loop3A_342 = arith.constant 1 : i32
                %parallel_loop3A_343 = vector.broadcast %parallel_loop3A_342 : i32 to vector<16xi32>
                %parallel_loop3A_344 = arith.addi %parallel_loop3A_341, %parallel_loop3A_343 : vector<16xi32>
                %parallel_loop3A_345 = arith.constant 512 : i32
                %parallel_loop3A_346 = vector.broadcast %parallel_loop3A_345 : i32 to vector<16xi32>
                %parallel_loop3A_347 = arith.addi %parallel_loop3A_341, %parallel_loop3A_346 : vector<16xi32>
                %parallel_loop3A_348 = arith.constant 512 : i32
                %parallel_loop3A_349 = vector.broadcast %parallel_loop3A_348 : i32 to vector<16xi32>
                %parallel_loop3A_350 = arith.addi %parallel_loop3A_341, %parallel_loop3A_349 : vector<16xi32>
                %parallel_loop3A_351 = arith.constant 1 : i32
                %parallel_loop3A_352 = vector.broadcast %parallel_loop3A_351 : i32 to vector<16xi32>
                %parallel_loop3A_353 = arith.addi %parallel_loop3A_350, %parallel_loop3A_352 : vector<16xi32>
                %parallel_loop3A_354 = arith.constant 65536 : i32
                %parallel_loop3A_355 = tpu.memref_slice %arg6[%parallel_loop3A_354] : memref<73728xf32, #tpu.memory_space<vmem>> -> memref<8192xf32, #tpu.memory_space<vmem>>
                tpu.vector_store_idx %parallel_loop3A_355[%parallel_loop3A_341], %parallel_loop3A_331 masked %parallel_loop3A_322 {add = true} : memref<8192xf32, #tpu.memory_space<vmem>>[vector<16xi32>], vector<16xf32>, vector<16xi1>
                %parallel_loop3A_356 = arith.constant 65536 : i32
                %parallel_loop3A_357 = tpu.memref_slice %arg6[%parallel_loop3A_356] : memref<73728xf32, #tpu.memory_space<vmem>> -> memref<8192xf32, #tpu.memory_space<vmem>>
                tpu.vector_store_idx %parallel_loop3A_357[%parallel_loop3A_344], %parallel_loop3A_333 masked %parallel_loop3A_323 {add = true} : memref<8192xf32, #tpu.memory_space<vmem>>[vector<16xi32>], vector<16xf32>, vector<16xi1>
                %parallel_loop3A_358 = arith.constant 65536 : i32
                %parallel_loop3A_359 = tpu.memref_slice %arg6[%parallel_loop3A_358] : memref<73728xf32, #tpu.memory_space<vmem>> -> memref<8192xf32, #tpu.memory_space<vmem>>
                tpu.vector_store_idx %parallel_loop3A_359[%parallel_loop3A_347], %parallel_loop3A_335 masked %parallel_loop3A_324 {add = true} : memref<8192xf32, #tpu.memory_space<vmem>>[vector<16xi32>], vector<16xf32>, vector<16xi1>
                %parallel_loop3A_360 = arith.constant 65536 : i32
                %parallel_loop3A_361 = tpu.memref_slice %arg6[%parallel_loop3A_360] : memref<73728xf32, #tpu.memory_space<vmem>> -> memref<8192xf32, #tpu.memory_space<vmem>>
                tpu.vector_store_idx %parallel_loop3A_361[%parallel_loop3A_353], %parallel_loop3A_337 masked %parallel_loop3A_325 {add = true} : memref<8192xf32, #tpu.memory_space<vmem>>[vector<16xi32>], vector<16xf32>, vector<16xi1>
                %parallel_loop3A_362 = arith.constant 0 : i32
                %parallel_loop3A_363 = arith.index_cast %parallel_loop3A_362 : i32 to index
                %parallel_loop3A_364 = arith.index_cast %while3A_207 : i32 to index
                %parallel_loop3A_365 = arith.index_cast %parallel_loop3A_247 : i32 to index
                %parallel_loop3A_366 = tpu.vector_load %arg7[%parallel_loop3A_363, %parallel_loop3A_364, %parallel_loop3A_365] {strides = array<i32>} : memref<8x8x512xf32, #tpu.memory_space<vmem>>, vector<16xf32>,
                %parallel_loop3A_367 = arith.mulf %parallel_loop3A_366, %parallel_loop3A_331 : vector<16xf32>
                %parallel_loop3A_368 = arith.constant 0 : i32
                %parallel_loop3A_369 = tpu.memref_slice %arg6[%parallel_loop3A_368] : memref<73728xf32, #tpu.memory_space<vmem>> -> memref<8192xf32, #tpu.memory_space<vmem>>
                tpu.vector_store_idx %parallel_loop3A_369[%parallel_loop3A_341], %parallel_loop3A_367 masked %parallel_loop3A_322 {add = true} : memref<8192xf32, #tpu.memory_space<vmem>>[vector<16xi32>], vector<16xf32>, vector<16xi1>
                %parallel_loop3A_370 = arith.mulf %parallel_loop3A_366, %parallel_loop3A_333 : vector<16xf32>
                %parallel_loop3A_371 = arith.constant 0 : i32
                %parallel_loop3A_372 = tpu.memref_slice %arg6[%parallel_loop3A_371] : memref<73728xf32, #tpu.memory_space<vmem>> -> memref<8192xf32, #tpu.memory_space<vmem>>
                tpu.vector_store_idx %parallel_loop3A_372[%parallel_loop3A_344], %parallel_loop3A_370 masked %parallel_loop3A_323 {add = true} : memref<8192xf32, #tpu.memory_space<vmem>>[vector<16xi32>], vector<16xf32>, vector<16xi1>
                %parallel_loop3A_373 = arith.mulf %parallel_loop3A_366, %parallel_loop3A_335 : vector<16xf32>
                %parallel_loop3A_374 = arith.constant 0 : i32
                %parallel_loop3A_375 = tpu.memref_slice %arg6[%parallel_loop3A_374] : memref<73728xf32, #tpu.memory_space<vmem>> -> memref<8192xf32, #tpu.memory_space<vmem>>
                tpu.vector_store_idx %parallel_loop3A_375[%parallel_loop3A_347], %parallel_loop3A_373 masked %parallel_loop3A_324 {add = true} : memref<8192xf32, #tpu.memory_space<vmem>>[vector<16xi32>], vector<16xf32>, vector<16xi1>
                %parallel_loop3A_376 = arith.mulf %parallel_loop3A_366, %parallel_loop3A_337 : vector<16xf32>
                %parallel_loop3A_377 = arith.constant 0 : i32
                %parallel_loop3A_378 = tpu.memref_slice %arg6[%parallel_loop3A_377] : memref<73728xf32, #tpu.memory_space<vmem>> -> memref<8192xf32, #tpu.memory_space<vmem>>
                tpu.vector_store_idx %parallel_loop3A_378[%parallel_loop3A_353], %parallel_loop3A_376 masked %parallel_loop3A_325 {add = true} : memref<8192xf32, #tpu.memory_space<vmem>>[vector<16xi32>], vector<16xf32>, vector<16xi1>
                %parallel_loop3A_379 = arith.constant 1 : i32
                %parallel_loop3A_380 = arith.index_cast %parallel_loop3A_379 : i32 to index
                %parallel_loop3A_381 = arith.index_cast %while3A_207 : i32 to index
                %parallel_loop3A_382 = arith.index_cast %parallel_loop3A_247 : i32 to index
                %parallel_loop3A_383 = tpu.vector_load %arg7[%parallel_loop3A_380, %parallel_loop3A_381, %parallel_loop3A_382] {strides = array<i32>} : memref<8x8x512xf32, #tpu.memory_space<vmem>>, vector<16xf32>,
                %parallel_loop3A_384 = arith.mulf %parallel_loop3A_383, %parallel_loop3A_331 : vector<16xf32>
                %parallel_loop3A_385 = arith.constant 8192 : i32
                %parallel_loop3A_386 = tpu.memref_slice %arg6[%parallel_loop3A_385] : memref<73728xf32, #tpu.memory_space<vmem>> -> memref<8192xf32, #tpu.memory_space<vmem>>
                tpu.vector_store_idx %parallel_loop3A_386[%parallel_loop3A_341], %parallel_loop3A_384 masked %parallel_loop3A_322 {add = true} : memref<8192xf32, #tpu.memory_space<vmem>>[vector<16xi32>], vector<16xf32>, vector<16xi1>
                %parallel_loop3A_387 = arith.mulf %parallel_loop3A_383, %parallel_loop3A_333 : vector<16xf32>
                %parallel_loop3A_388 = arith.constant 8192 : i32
                %parallel_loop3A_389 = tpu.memref_slice %arg6[%parallel_loop3A_388] : memref<73728xf32, #tpu.memory_space<vmem>> -> memref<8192xf32, #tpu.memory_space<vmem>>
                tpu.vector_store_idx %parallel_loop3A_389[%parallel_loop3A_344], %parallel_loop3A_387 masked %parallel_loop3A_323 {add = true} : memref<8192xf32, #tpu.memory_space<vmem>>[vector<16xi32>], vector<16xf32>, vector<16xi1>
                %parallel_loop3A_390 = arith.mulf %parallel_loop3A_383, %parallel_loop3A_335 : vector<16xf32>
                %parallel_loop3A_391 = arith.constant 8192 : i32
                %parallel_loop3A_392 = tpu.memref_slice %arg6[%parallel_loop3A_391] : memref<73728xf32, #tpu.memory_space<vmem>> -> memref<8192xf32, #tpu.memory_space<vmem>>
                tpu.vector_store_idx %parallel_loop3A_392[%parallel_loop3A_347], %parallel_loop3A_390 masked %parallel_loop3A_324 {add = true} : memref<8192xf32, #tpu.memory_space<vmem>>[vector<16xi32>], vector<16xf32>, vector<16xi1>
                %parallel_loop3A_393 = arith.mulf %parallel_loop3A_383, %parallel_loop3A_337 : vector<16xf32>
                %parallel_loop3A_394 = arith.constant 8192 : i32
                %parallel_loop3A_395 = tpu.memref_slice %arg6[%parallel_loop3A_394] : memref<73728xf32, #tpu.memory_space<vmem>> -> memref<8192xf32, #tpu.memory_space<vmem>>
                tpu.vector_store_idx %parallel_loop3A_395[%parallel_loop3A_353], %parallel_loop3A_393 masked %parallel_loop3A_325 {add = true} : memref<8192xf32, #tpu.memory_space<vmem>>[vector<16xi32>], vector<16xf32>, vector<16xi1>
                %parallel_loop3A_396 = arith.constant 2 : i32
                %parallel_loop3A_397 = arith.index_cast %parallel_loop3A_396 : i32 to index
                %parallel_loop3A_398 = arith.index_cast %while3A_207 : i32 to index
                %parallel_loop3A_399 = arith.index_cast %parallel_loop3A_247 : i32 to index
                %parallel_loop3A_400 = tpu.vector_load %arg7[%parallel_loop3A_397, %parallel_loop3A_398, %parallel_loop3A_399] {strides = array<i32>} : memref<8x8x512xf32, #tpu.memory_space<vmem>>, vector<16xf32>,
                %parallel_loop3A_401 = arith.mulf %parallel_loop3A_400, %parallel_loop3A_331 : vector<16xf32>
                %parallel_loop3A_402 = arith.constant 16384 : i32
                %parallel_loop3A_403 = tpu.memref_slice %arg6[%parallel_loop3A_402] : memref<73728xf32, #tpu.memory_space<vmem>> -> memref<8192xf32, #tpu.memory_space<vmem>>
                tpu.vector_store_idx %parallel_loop3A_403[%parallel_loop3A_341], %parallel_loop3A_401 masked %parallel_loop3A_322 {add = true} : memref<8192xf32, #tpu.memory_space<vmem>>[vector<16xi32>], vector<16xf32>, vector<16xi1>
                %parallel_loop3A_404 = arith.mulf %parallel_loop3A_400, %parallel_loop3A_333 : vector<16xf32>
                %parallel_loop3A_405 = arith.constant 16384 : i32
                %parallel_loop3A_406 = tpu.memref_slice %arg6[%parallel_loop3A_405] : memref<73728xf32, #tpu.memory_space<vmem>> -> memref<8192xf32, #tpu.memory_space<vmem>>
                tpu.vector_store_idx %parallel_loop3A_406[%parallel_loop3A_344], %parallel_loop3A_404 masked %parallel_loop3A_323 {add = true} : memref<8192xf32, #tpu.memory_space<vmem>>[vector<16xi32>], vector<16xf32>, vector<16xi1>
                %parallel_loop3A_407 = arith.mulf %parallel_loop3A_400, %parallel_loop3A_335 : vector<16xf32>
                %parallel_loop3A_408 = arith.constant 16384 : i32
                %parallel_loop3A_409 = tpu.memref_slice %arg6[%parallel_loop3A_408] : memref<73728xf32, #tpu.memory_space<vmem>> -> memref<8192xf32, #tpu.memory_space<vmem>>
                tpu.vector_store_idx %parallel_loop3A_409[%parallel_loop3A_347], %parallel_loop3A_407 masked %parallel_loop3A_324 {add = true} : memref<8192xf32, #tpu.memory_space<vmem>>[vector<16xi32>], vector<16xf32>, vector<16xi1>
                %parallel_loop3A_410 = arith.mulf %parallel_loop3A_400, %parallel_loop3A_337 : vector<16xf32>
                %parallel_loop3A_411 = arith.constant 16384 : i32
                %parallel_loop3A_412 = tpu.memref_slice %arg6[%parallel_loop3A_411] : memref<73728xf32, #tpu.memory_space<vmem>> -> memref<8192xf32, #tpu.memory_space<vmem>>
                tpu.vector_store_idx %parallel_loop3A_412[%parallel_loop3A_353], %parallel_loop3A_410 masked %parallel_loop3A_325 {add = true} : memref<8192xf32, #tpu.memory_space<vmem>>[vector<16xi32>], vector<16xf32>, vector<16xi1>
                %parallel_loop3A_413 = arith.constant 3 : i32
                %parallel_loop3A_414 = arith.index_cast %parallel_loop3A_413 : i32 to index
                %parallel_loop3A_415 = arith.index_cast %while3A_207 : i32 to index
                %parallel_loop3A_416 = arith.index_cast %parallel_loop3A_247 : i32 to index
                %parallel_loop3A_417 = tpu.vector_load %arg7[%parallel_loop3A_414, %parallel_loop3A_415, %parallel_loop3A_416] {strides = array<i32>} : memref<8x8x512xf32, #tpu.memory_space<vmem>>, vector<16xf32>,
                %parallel_loop3A_418 = arith.mulf %parallel_loop3A_417, %parallel_loop3A_331 : vector<16xf32>
                %parallel_loop3A_419 = arith.constant 24576 : i32
                %parallel_loop3A_420 = tpu.memref_slice %arg6[%parallel_loop3A_419] : memref<73728xf32, #tpu.memory_space<vmem>> -> memref<8192xf32, #tpu.memory_space<vmem>>
                tpu.vector_store_idx %parallel_loop3A_420[%parallel_loop3A_341], %parallel_loop3A_418 masked %parallel_loop3A_322 {add = true} : memref<8192xf32, #tpu.memory_space<vmem>>[vector<16xi32>], vector<16xf32>, vector<16xi1>
                %parallel_loop3A_421 = arith.mulf %parallel_loop3A_417, %parallel_loop3A_333 : vector<16xf32>
                %parallel_loop3A_422 = arith.constant 24576 : i32
                %parallel_loop3A_423 = tpu.memref_slice %arg6[%parallel_loop3A_422] : memref<73728xf32, #tpu.memory_space<vmem>> -> memref<8192xf32, #tpu.memory_space<vmem>>
                tpu.vector_store_idx %parallel_loop3A_423[%parallel_loop3A_344], %parallel_loop3A_421 masked %parallel_loop3A_323 {add = true} : memref<8192xf32, #tpu.memory_space<vmem>>[vector<16xi32>], vector<16xf32>, vector<16xi1>
                %parallel_loop3A_424 = arith.mulf %parallel_loop3A_417, %parallel_loop3A_335 : vector<16xf32>
                %parallel_loop3A_425 = arith.constant 24576 : i32
                %parallel_loop3A_426 = tpu.memref_slice %arg6[%parallel_loop3A_425] : memref<73728xf32, #tpu.memory_space<vmem>> -> memref<8192xf32, #tpu.memory_space<vmem>>
                tpu.vector_store_idx %parallel_loop3A_426[%parallel_loop3A_347], %parallel_loop3A_424 masked %parallel_loop3A_324 {add = true} : memref<8192xf32, #tpu.memory_space<vmem>>[vector<16xi32>], vector<16xf32>, vector<16xi1>
                %parallel_loop3A_427 = arith.mulf %parallel_loop3A_417, %parallel_loop3A_337 : vector<16xf32>
                %parallel_loop3A_428 = arith.constant 24576 : i32
                %parallel_loop3A_429 = tpu.memref_slice %arg6[%parallel_loop3A_428] : memref<73728xf32, #tpu.memory_space<vmem>> -> memref<8192xf32, #tpu.memory_space<vmem>>
                tpu.vector_store_idx %parallel_loop3A_429[%parallel_loop3A_353], %parallel_loop3A_427 masked %parallel_loop3A_325 {add = true} : memref<8192xf32, #tpu.memory_space<vmem>>[vector<16xi32>], vector<16xf32>, vector<16xi1>
                %parallel_loop3A_430 = arith.constant 4 : i32
                %parallel_loop3A_431 = arith.index_cast %parallel_loop3A_430 : i32 to index
                %parallel_loop3A_432 = arith.index_cast %while3A_207 : i32 to index
                %parallel_loop3A_433 = arith.index_cast %parallel_loop3A_247 : i32 to index
                %parallel_loop3A_434 = tpu.vector_load %arg7[%parallel_loop3A_431, %parallel_loop3A_432, %parallel_loop3A_433] {strides = array<i32>} : memref<8x8x512xf32, #tpu.memory_space<vmem>>, vector<16xf32>,
                %parallel_loop3A_435 = arith.mulf %parallel_loop3A_434, %parallel_loop3A_331 : vector<16xf32>
                %parallel_loop3A_436 = arith.constant 32768 : i32
                %parallel_loop3A_437 = tpu.memref_slice %arg6[%parallel_loop3A_436] : memref<73728xf32, #tpu.memory_space<vmem>> -> memref<8192xf32, #tpu.memory_space<vmem>>
                tpu.vector_store_idx %parallel_loop3A_437[%parallel_loop3A_341], %parallel_loop3A_435 masked %parallel_loop3A_322 {add = true} : memref<8192xf32, #tpu.memory_space<vmem>>[vector<16xi32>], vector<16xf32>, vector<16xi1>
                %parallel_loop3A_438 = arith.mulf %parallel_loop3A_434, %parallel_loop3A_333 : vector<16xf32>
                %parallel_loop3A_439 = arith.constant 32768 : i32
                %parallel_loop3A_440 = tpu.memref_slice %arg6[%parallel_loop3A_439] : memref<73728xf32, #tpu.memory_space<vmem>> -> memref<8192xf32, #tpu.memory_space<vmem>>
                tpu.vector_store_idx %parallel_loop3A_440[%parallel_loop3A_344], %parallel_loop3A_438 masked %parallel_loop3A_323 {add = true} : memref<8192xf32, #tpu.memory_space<vmem>>[vector<16xi32>], vector<16xf32>, vector<16xi1>
                %parallel_loop3A_441 = arith.mulf %parallel_loop3A_434, %parallel_loop3A_335 : vector<16xf32>
                %parallel_loop3A_442 = arith.constant 32768 : i32
                %parallel_loop3A_443 = tpu.memref_slice %arg6[%parallel_loop3A_442] : memref<73728xf32, #tpu.memory_space<vmem>> -> memref<8192xf32, #tpu.memory_space<vmem>>
                tpu.vector_store_idx %parallel_loop3A_443[%parallel_loop3A_347], %parallel_loop3A_441 masked %parallel_loop3A_324 {add = true} : memref<8192xf32, #tpu.memory_space<vmem>>[vector<16xi32>], vector<16xf32>, vector<16xi1>
                %parallel_loop3A_444 = arith.mulf %parallel_loop3A_434, %parallel_loop3A_337 : vector<16xf32>
                %parallel_loop3A_445 = arith.constant 32768 : i32
                %parallel_loop3A_446 = tpu.memref_slice %arg6[%parallel_loop3A_445] : memref<73728xf32, #tpu.memory_space<vmem>> -> memref<8192xf32, #tpu.memory_space<vmem>>
                tpu.vector_store_idx %parallel_loop3A_446[%parallel_loop3A_353], %parallel_loop3A_444 masked %parallel_loop3A_325 {add = true} : memref<8192xf32, #tpu.memory_space<vmem>>[vector<16xi32>], vector<16xf32>, vector<16xi1>
                %parallel_loop3A_447 = arith.constant 5 : i32
                %parallel_loop3A_448 = arith.index_cast %parallel_loop3A_447 : i32 to index
                %parallel_loop3A_449 = arith.index_cast %while3A_207 : i32 to index
                %parallel_loop3A_450 = arith.index_cast %parallel_loop3A_247 : i32 to index
                %parallel_loop3A_451 = tpu.vector_load %arg7[%parallel_loop3A_448, %parallel_loop3A_449, %parallel_loop3A_450] {strides = array<i32>} : memref<8x8x512xf32, #tpu.memory_space<vmem>>, vector<16xf32>,
                %parallel_loop3A_452 = arith.mulf %parallel_loop3A_451, %parallel_loop3A_331 : vector<16xf32>
                %parallel_loop3A_453 = arith.constant 40960 : i32
                %parallel_loop3A_454 = tpu.memref_slice %arg6[%parallel_loop3A_453] : memref<73728xf32, #tpu.memory_space<vmem>> -> memref<8192xf32, #tpu.memory_space<vmem>>
                tpu.vector_store_idx %parallel_loop3A_454[%parallel_loop3A_341], %parallel_loop3A_452 masked %parallel_loop3A_322 {add = true} : memref<8192xf32, #tpu.memory_space<vmem>>[vector<16xi32>], vector<16xf32>, vector<16xi1>
                %parallel_loop3A_455 = arith.mulf %parallel_loop3A_451, %parallel_loop3A_333 : vector<16xf32>
                %parallel_loop3A_456 = arith.constant 40960 : i32
                %parallel_loop3A_457 = tpu.memref_slice %arg6[%parallel_loop3A_456] : memref<73728xf32, #tpu.memory_space<vmem>> -> memref<8192xf32, #tpu.memory_space<vmem>>
                tpu.vector_store_idx %parallel_loop3A_457[%parallel_loop3A_344], %parallel_loop3A_455 masked %parallel_loop3A_323 {add = true} : memref<8192xf32, #tpu.memory_space<vmem>>[vector<16xi32>], vector<16xf32>, vector<16xi1>
                %parallel_loop3A_458 = arith.mulf %parallel_loop3A_451, %parallel_loop3A_335 : vector<16xf32>
                %parallel_loop3A_459 = arith.constant 40960 : i32
                %parallel_loop3A_460 = tpu.memref_slice %arg6[%parallel_loop3A_459] : memref<73728xf32, #tpu.memory_space<vmem>> -> memref<8192xf32, #tpu.memory_space<vmem>>
                tpu.vector_store_idx %parallel_loop3A_460[%parallel_loop3A_347], %parallel_loop3A_458 masked %parallel_loop3A_324 {add = true} : memref<8192xf32, #tpu.memory_space<vmem>>[vector<16xi32>], vector<16xf32>, vector<16xi1>
                %parallel_loop3A_461 = arith.mulf %parallel_loop3A_451, %parallel_loop3A_337 : vector<16xf32>
                %parallel_loop3A_462 = arith.constant 40960 : i32
                %parallel_loop3A_463 = tpu.memref_slice %arg6[%parallel_loop3A_462] : memref<73728xf32, #tpu.memory_space<vmem>> -> memref<8192xf32, #tpu.memory_space<vmem>>
                tpu.vector_store_idx %parallel_loop3A_463[%parallel_loop3A_353], %parallel_loop3A_461 masked %parallel_loop3A_325 {add = true} : memref<8192xf32, #tpu.memory_space<vmem>>[vector<16xi32>], vector<16xf32>, vector<16xi1>
                %parallel_loop3A_464 = arith.constant 6 : i32
                %parallel_loop3A_465 = arith.index_cast %parallel_loop3A_464 : i32 to index
                %parallel_loop3A_466 = arith.index_cast %while3A_207 : i32 to index
                %parallel_loop3A_467 = arith.index_cast %parallel_loop3A_247 : i32 to index
                %parallel_loop3A_468 = tpu.vector_load %arg7[%parallel_loop3A_465, %parallel_loop3A_466, %parallel_loop3A_467] {strides = array<i32>} : memref<8x8x512xf32, #tpu.memory_space<vmem>>, vector<16xf32>,
                %parallel_loop3A_469 = arith.mulf %parallel_loop3A_468, %parallel_loop3A_331 : vector<16xf32>
                %parallel_loop3A_470 = arith.constant 49152 : i32
                %parallel_loop3A_471 = tpu.memref_slice %arg6[%parallel_loop3A_470] : memref<73728xf32, #tpu.memory_space<vmem>> -> memref<8192xf32, #tpu.memory_space<vmem>>
                tpu.vector_store_idx %parallel_loop3A_471[%parallel_loop3A_341], %parallel_loop3A_469 masked %parallel_loop3A_322 {add = true} : memref<8192xf32, #tpu.memory_space<vmem>>[vector<16xi32>], vector<16xf32>, vector<16xi1>
                %parallel_loop3A_472 = arith.mulf %parallel_loop3A_468, %parallel_loop3A_333 : vector<16xf32>
                %parallel_loop3A_473 = arith.constant 49152 : i32
                %parallel_loop3A_474 = tpu.memref_slice %arg6[%parallel_loop3A_473] : memref<73728xf32, #tpu.memory_space<vmem>> -> memref<8192xf32, #tpu.memory_space<vmem>>
                tpu.vector_store_idx %parallel_loop3A_474[%parallel_loop3A_344], %parallel_loop3A_472 masked %parallel_loop3A_323 {add = true} : memref<8192xf32, #tpu.memory_space<vmem>>[vector<16xi32>], vector<16xf32>, vector<16xi1>
                %parallel_loop3A_475 = arith.mulf %parallel_loop3A_468, %parallel_loop3A_335 : vector<16xf32>
                %parallel_loop3A_476 = arith.constant 49152 : i32
                %parallel_loop3A_477 = tpu.memref_slice %arg6[%parallel_loop3A_476] : memref<73728xf32, #tpu.memory_space<vmem>> -> memref<8192xf32, #tpu.memory_space<vmem>>
                tpu.vector_store_idx %parallel_loop3A_477[%parallel_loop3A_347], %parallel_loop3A_475 masked %parallel_loop3A_324 {add = true} : memref<8192xf32, #tpu.memory_space<vmem>>[vector<16xi32>], vector<16xf32>, vector<16xi1>
                %parallel_loop3A_478 = arith.mulf %parallel_loop3A_468, %parallel_loop3A_337 : vector<16xf32>
                %parallel_loop3A_479 = arith.constant 49152 : i32
                %parallel_loop3A_480 = tpu.memref_slice %arg6[%parallel_loop3A_479] : memref<73728xf32, #tpu.memory_space<vmem>> -> memref<8192xf32, #tpu.memory_space<vmem>>
                tpu.vector_store_idx %parallel_loop3A_480[%parallel_loop3A_353], %parallel_loop3A_478 masked %parallel_loop3A_325 {add = true} : memref<8192xf32, #tpu.memory_space<vmem>>[vector<16xi32>], vector<16xf32>, vector<16xi1>
                %parallel_loop3A_481 = arith.constant 7 : i32
                %parallel_loop3A_482 = arith.index_cast %parallel_loop3A_481 : i32 to index
                %parallel_loop3A_483 = arith.index_cast %while3A_207 : i32 to index
                %parallel_loop3A_484 = arith.index_cast %parallel_loop3A_247 : i32 to index
                %parallel_loop3A_485 = tpu.vector_load %arg7[%parallel_loop3A_482, %parallel_loop3A_483, %parallel_loop3A_484] {strides = array<i32>} : memref<8x8x512xf32, #tpu.memory_space<vmem>>, vector<16xf32>,
                %parallel_loop3A_486 = arith.mulf %parallel_loop3A_485, %parallel_loop3A_331 : vector<16xf32>
                %parallel_loop3A_487 = arith.constant 57344 : i32
                %parallel_loop3A_488 = tpu.memref_slice %arg6[%parallel_loop3A_487] : memref<73728xf32, #tpu.memory_space<vmem>> -> memref<8192xf32, #tpu.memory_space<vmem>>
                tpu.vector_store_idx %parallel_loop3A_488[%parallel_loop3A_341], %parallel_loop3A_486 masked %parallel_loop3A_322 {add = true} : memref<8192xf32, #tpu.memory_space<vmem>>[vector<16xi32>], vector<16xf32>, vector<16xi1>
                %parallel_loop3A_489 = arith.mulf %parallel_loop3A_485, %parallel_loop3A_333 : vector<16xf32>
                %parallel_loop3A_490 = arith.constant 57344 : i32
                %parallel_loop3A_491 = tpu.memref_slice %arg6[%parallel_loop3A_490] : memref<73728xf32, #tpu.memory_space<vmem>> -> memref<8192xf32, #tpu.memory_space<vmem>>
                tpu.vector_store_idx %parallel_loop3A_491[%parallel_loop3A_344], %parallel_loop3A_489 masked %parallel_loop3A_323 {add = true} : memref<8192xf32, #tpu.memory_space<vmem>>[vector<16xi32>], vector<16xf32>, vector<16xi1>
                %parallel_loop3A_492 = arith.mulf %parallel_loop3A_485, %parallel_loop3A_335 : vector<16xf32>
                %parallel_loop3A_493 = arith.constant 57344 : i32
                %parallel_loop3A_494 = tpu.memref_slice %arg6[%parallel_loop3A_493] : memref<73728xf32, #tpu.memory_space<vmem>> -> memref<8192xf32, #tpu.memory_space<vmem>>
                tpu.vector_store_idx %parallel_loop3A_494[%parallel_loop3A_347], %parallel_loop3A_492 masked %parallel_loop3A_324 {add = true} : memref<8192xf32, #tpu.memory_space<vmem>>[vector<16xi32>], vector<16xf32>, vector<16xi1>
                %parallel_loop3A_495 = arith.mulf %parallel_loop3A_485, %parallel_loop3A_337 : vector<16xf32>
                %parallel_loop3A_496 = arith.constant 57344 : i32
                %parallel_loop3A_497 = tpu.memref_slice %arg6[%parallel_loop3A_496] : memref<73728xf32, #tpu.memory_space<vmem>> -> memref<8192xf32, #tpu.memory_space<vmem>>
                tpu.vector_store_idx %parallel_loop3A_497[%parallel_loop3A_353], %parallel_loop3A_495 masked %parallel_loop3A_325 {add = true} : memref<8192xf32, #tpu.memory_space<vmem>>[vector<16xi32>], vector<16xf32>, vector<16xi1>
              } {sc.loop_unroll_factor = 6 : i64, sc.parallel_access}
            } else {
            }
            %while3A_241 = arith.constant 0 : i32
            scf.yield %while3A_241 : i32
          }
        } else {
        }
        %scan3A_190 = arith.constant 0 : i32
        scf.yield %scan3A_190 : i32
      }
      %scan3A_118 = arith.constant 5 : i32
      %parallel_loop3A_119 = arith.constant 0 : i32
      %parallel_loop3A_120 = arith.constant 512 : i32
      %parallel_loop3A_121 = arith.constant 1 : i32
      scf.for %parallel_loop3A_137 = %parallel_loop3A_119 to %parallel_loop3A_120 step %parallel_loop3A_121  : i32 {
        %parallel_loop3A_138 = arith.constant 16 : i32
        %parallel_loop3A_139 = arith.muli %parallel_loop3A_137, %parallel_loop3A_138 : i32
        %parallel_loop3A_140 = arith.constant 65536 : i32
        %parallel_loop3A_141 = arith.addi %parallel_loop3A_140, %parallel_loop3A_139 : i32
        %parallel_loop3A_142 = arith.index_cast %parallel_loop3A_141 : i32 to index
        %parallel_loop3A_143 = tpu.vector_load %arg6[%parallel_loop3A_142] {strides = array<i32>} : memref<73728xf32, #tpu.memory_space<vmem>>, vector<16xf32>,
        %parallel_loop3A_144 = arith.constant 1.000000e-07 : f32
        %parallel_loop3A_145 = vector.broadcast %parallel_loop3A_144 : f32 to vector<16xf32>
        %parallel_loop3A_146 = arith.addf %parallel_loop3A_143, %parallel_loop3A_145 : vector<16xf32>
        %parallel_loop3A_147 = arith.constant 1.000000e+00 : f32
        %parallel_loop3A_148 = vector.broadcast %parallel_loop3A_147 : f32 to vector<16xf32>
        %parallel_loop3A_149 = arith.divf %parallel_loop3A_148, %parallel_loop3A_146 : vector<16xf32>
        %parallel_loop3A_150 = arith.index_cast %parallel_loop3A_141 : i32 to index
        %parallel_loop3A_151 = tpu.vector_load %arg6[%parallel_loop3A_150] {strides = array<i32>} : memref<73728xf32, #tpu.memory_space<vmem>>, vector<16xf32>,
        tpu.vector_store %arg6[%parallel_loop3A_150], %parallel_loop3A_149 {strides = array<i32>} : memref<73728xf32, #tpu.memory_space<vmem>>, vector<16xf32>,
      } {sc.loop_unroll_factor = 4 : i64, sc.parallel_access}
      %scan3A_122 = arith.constant 0 : i32
      %scan3A_123 = arith.constant 0 : i32
      %scan3A_124 = arith.constant 8 : i32
      %scan3A_125 = arith.addi %scan3A_123, %scan3A_124 : i32
      %scan3A_126 = arith.constant 1 : i32
      %scan3A_127 = scf.for %scan3A_137 = %scan3A_123 to %scan3A_125 step %scan3A_126 iter_args(%scan3A_138 = %scan3A_122) -> (i32)  : i32 {
        %parallel_loop3A_139 = arith.constant 0 : i32
        %parallel_loop3A_140 = arith.constant 512 : i32
        %parallel_loop3A_141 = arith.constant 1 : i32
        scf.for %parallel_loop3A_160 = %parallel_loop3A_139 to %parallel_loop3A_140 step %parallel_loop3A_141  : i32 {
          %parallel_loop3A_161 = arith.constant 8192 : i32
          %parallel_loop3A_162 = arith.muli %scan3A_137, %parallel_loop3A_161 : i32
          %parallel_loop3A_163 = arith.constant 16 : i32
          %parallel_loop3A_164 = arith.muli %parallel_loop3A_160, %parallel_loop3A_163 : i32
          %parallel_loop3A_165 = arith.addi %parallel_loop3A_162, %parallel_loop3A_164 : i32
          %parallel_loop3A_166 = arith.constant 16 : i32
          %parallel_loop3A_167 = arith.muli %parallel_loop3A_160, %parallel_loop3A_166 : i32
          %parallel_loop3A_168 = arith.constant 65536 : i32
          %parallel_loop3A_169 = arith.addi %parallel_loop3A_168, %parallel_loop3A_167 : i32
          %parallel_loop3A_170 = arith.index_cast %parallel_loop3A_165 : i32 to index
          %parallel_loop3A_171 = tpu.vector_load %arg6[%parallel_loop3A_170] {strides = array<i32>} : memref<73728xf32, #tpu.memory_space<vmem>>, vector<16xf32>,
          %parallel_loop3A_172 = arith.index_cast %parallel_loop3A_169 : i32 to index
          %parallel_loop3A_173 = tpu.vector_load %arg6[%parallel_loop3A_172] {strides = array<i32>} : memref<73728xf32, #tpu.memory_space<vmem>>, vector<16xf32>,
          %parallel_loop3A_174 = arith.mulf %parallel_loop3A_171, %parallel_loop3A_173 : vector<16xf32>
          %parallel_loop3A_175 = arith.index_cast %parallel_loop3A_165 : i32 to index
          %parallel_loop3A_176 = tpu.vector_load %arg6[%parallel_loop3A_175] {strides = array<i32>} : memref<73728xf32, #tpu.memory_space<vmem>>, vector<16xf32>,
          tpu.vector_store %arg6[%parallel_loop3A_175], %parallel_loop3A_174 {strides = array<i32>} : memref<73728xf32, #tpu.memory_space<vmem>>, vector<16xf32>,
        } {sc.loop_unroll_factor = 4 : i64, sc.parallel_access}
        %mul3A_142 = arith.constant 8 : i32
        %mul3A_143 = arith.muli %rem3A_70, %mul3A_142 : i32
        %add3A_144 = arith.addi %mul3A_143, %scan3A_137 : i32
        %mul3A_145 = arith.constant 8192 : i32
        %mul3A_146 = arith.muli %scan3A_137, %mul3A_145 : i32
        %mul3A_147 = arith.constant 32 : i32
        %mul3A_148 = arith.muli %select_n3A_52, %mul3A_147 : i32
        %add3A_149 = arith.addi %mul3A_148, %add3A_144 : i32
        %mul3A_150 = arith.constant 512 : i32
        %mul3A_151 = arith.muli %add3A_149, %mul3A_150 : i32
        %add3A_152 = arith.addi %mul3A_151, %mul3A_68 : i32
        %mul3A_153 = arith.constant 512 : i32
        %mul3A_154 = arith.muli %add3A_152, %mul3A_153 : i32
        %dma_start3A_155 = tpu.memref_slice %arg6[%mul3A_146] : memref<73728xf32, #tpu.memory_space<vmem>> -> memref<8192xf32, #tpu.memory_space<vmem>>
        %dma_start3A_156 = tpu.memref_slice %arg5[%mul3A_154] : memref<16777216xf32, #tpu.memory_space<hbm>> -> memref<8192xf32, #tpu.memory_space<hbm>>
        %dma_start3A_157 = tpu.memref_slice %arg5[%mul3A_154] : memref<16777216xf32, #tpu.memory_space<hbm>> -> memref<8192xf32, #tpu.memory_space<hbm>>
        %dma_start3A_158 = tpu.memref_slice %arg6[%mul3A_146] : memref<73728xf32, #tpu.memory_space<vmem>> -> memref<8192xf32, #tpu.memory_space<vmem>>
        tpu.enqueue_dma source(%dma_start3A_158 : memref<8192xf32, #tpu.memory_space<vmem>>) target(%dma_start3A_157 : memref<8192xf32, #tpu.memory_space<hbm>>) target_semaphore(%arg12 : memref<!tpu.dma_semaphore, #tpu.memory_space<semaphore_mem>>)
        %scan3A_159 = arith.constant 0 : i32
        scf.yield %scan3A_159 : i32
      }
      %scan3A_128 = arith.constant 8 : i32
      %scan3A_129 = arith.constant 0 : i32
      %scan3A_130 = arith.constant 0 : i32
      %scan3A_131 = arith.constant 8 : i32
      %scan3A_132 = arith.addi %scan3A_130, %scan3A_131 : i32
      %scan3A_133 = arith.constant 1 : i32
      %scan3A_134 = scf.for %scan3A_137 = %scan3A_130 to %scan3A_132 step %scan3A_133 iter_args(%scan3A_138 = %scan3A_129) -> (i32)  : i32 {
        %mul3A_139 = arith.constant 8 : i32
        %mul3A_140 = arith.muli %rem3A_70, %mul3A_139 : i32
        %add3A_141 = arith.addi %mul3A_140, %scan3A_137 : i32
        %mul3A_142 = arith.constant 8192 : i32
        %mul3A_143 = arith.muli %scan3A_137, %mul3A_142 : i32
        %mul3A_144 = arith.constant 32 : i32
        %mul3A_145 = arith.muli %select_n3A_52, %mul3A_144 : i32
        %add3A_146 = arith.addi %mul3A_145, %add3A_141 : i32
        %mul3A_147 = arith.constant 512 : i32
        %mul3A_148 = arith.muli %add3A_146, %mul3A_147 : i32
        %add3A_149 = arith.addi %mul3A_148, %mul3A_68 : i32
        %mul3A_150 = arith.constant 512 : i32
        %mul3A_151 = arith.muli %add3A_149, %mul3A_150 : i32
        %dma_wait3A = tpu.memref_slice %arg6[%mul3A_143] : memref<73728xf32, #tpu.memory_space<vmem>> -> memref<8192xf32, #tpu.memory_space<vmem>>
        %dma_wait3A_152 = tpu.memref_slice %arg5[%mul3A_151] : memref<16777216xf32, #tpu.memory_space<hbm>> -> memref<8192xf32, #tpu.memory_space<hbm>>
        %dma_wait3A_153 = tpu.memref_slice %arg5[%mul3A_151] : memref<16777216xf32, #tpu.memory_space<hbm>> -> memref<8192xf32, #tpu.memory_space<hbm>>
        %dma_wait3A_154 = tpu.memref_slice %arg6[%mul3A_143] : memref<73728xf32, #tpu.memory_space<vmem>> -> memref<8192xf32, #tpu.memory_space<vmem>>
        tpu.wait_dma2 semaphore(%arg12 : memref<!tpu.dma_semaphore, #tpu.memory_space<semaphore_mem>>) src(%dma_wait3A_154 : memref<8192xf32, #tpu.memory_space<vmem>>) dst(%dma_wait3A_153 : memref<8192xf32, #tpu.memory_space<hbm>>)
        %scan3A_155 = arith.constant 0 : i32
        scf.yield %scan3A_155 : i32
      }
      %scan3A_135 = arith.constant 8 : i32
      %scan3A_136 = arith.constant 0 : i32
      scf.yield %scan3A_136 : i32
    }
    %scan3A_7 = arith.constant 8 : i32
    return
  }
}

</mosaic_0001>

<sc_bundles>
// kernel: kernel.3.cloned.1.call-start
scs
__scs_entry_jumppad:
0x0: {  	(pc) =	sbr.rel $0x88, $3  }
0x1: {  	(tag) =	ssettag $0x0;
	lr =	simm.s32 $0x1  }
0x2: {  	[smem:$0x3F9E] =	sst lr;
	_ =	strace $0xD0000000  }
0x3: {  	_ = 	snop  }
0x4: {  	_ = 	snop  }
0x5: {  	_ = 	snop  }
0x6: {  	_ = 	snop  }
0x7: {  	_ = 	snop  }
__scs_overlays_trampoline_lowered:
0x8: {  	[smem:$0x3FAD] =	sst s0  }
0x9: {  	[smem:$0x3FAE] =	sst s1  }
0xa: {  	[smem:$0x3FAF] =	sst s2  }
0xb: {  	[smem:$0x3FB0] =	sst s3  }
0xc: {  	[smem:$0x3FB1] =	sst s4  }
0xd: {  	[smem:$0x3FB2] =	sst s5  }
0xe: {  	[smem:$0x3FB3] =	sst s6  }
0xf: {  	[smem:$0x3FB4] =	sst s7  }
0x10: {  	[smem:$0x3FB5] =	sst s8  }
0x11: {  	[smem:$0x3FB6] =	sst s9;
	s0 =	simm.s32 @!p0 $0x0  }
0x12: {  	s1 =	sld [smem:$0x3F9C];
	s0 =	simm.s32 @p0 $0x1  }
0x13: {  	[smem:$0x3FB7] =	sst s0;
	s0 =	simm.s32 @!p1 $0x0  }
0x14: {  	s2 =	sld [smem:$0x3F9B];
	s0 =	simm.s32 @p1 $0x1  }
0x15: {  	[smem:$0x3FB8] =	sst s0;
	s0 =	simm.s32 @!p2 $0x0  }
0x16: {  	s3 =	sld [smem:$0x3FDB];
	s0 =	simm.s32 @p2 $0x1  }
0x17: {  	s4 =	simm.s32 $0x1BF5;
	[smem:$0x3FBA] =	sst s0  }
0x18: {  	s0 =	sld [smem:$0x3F9D];
	_ =	swait.ge [sflag:s4], $0x0  }
0x19: {  	s7 =	sld [smem:$0x3F9E]  }
0x1a: {  	s8 =	sadd.s32 $0xFFFFE003, lr  }
0x1b: {  	s9 =	sadd.s32 $0xFFFFFEF7, lr;
	s5 =	simm.s32 $0xFFFFFFFF;
	p2 =	slt.u32 s8, $0xFFFFF086  }
0x1c: {  	p1 =	slt.u32 s9, $0xF7A;
	s5 =	simm.s32 @!p2 $0x0  }
0x1d: {  	s5 =	simm.s32 @p1 $0x1;
	p0 =	seq.s32 s7, s2  }
0x1e: {  	s7 =	smul.u32 @!p0 $0xF7A, s2;
	p2 =	seq.s32 @!p0 s5, $0x0  }
0x1f: {  	s9 =	smul.u32 $0xF7A, s1;
	s8 =	simm.s32 @!p0 $0x1BF5;
	p2 =	por !p2, p0  }
0x20: {  	[sflag:s8] =	ssyncset.s32 @!p0 $0xFFFFF086;
	s6 =	sadd.s32 @!p0 s3, s7;
	s7 =	simm.s32 @!p0 $0x108  }
0x21: {  	s3 =	sadd.s32 s3, s9;
	s6 =	sadd.s32 @!p0 $0x88, s6;
	s7 =	simm.s32 @p2 $0x1082  }
0x22: {  	[simem:s7], [sflag:s8] =	dma.local @!p0 [hbm:s6], $0xF7A  }
0x23: {  	s9 =	sor.u32 $0xD0000000, s2;
	s6 =	simm.s32 $0x108;
	_ =	swait.ge @!p0 [sflag:s8], $0x0  }
0x24: {  	s3 =	sadd.s32 $0x88, s3;
	s6 =	simm.s32 @!p1 $0x1082;
	[sflag:s4] =	ssyncset.s32 $0xFFFFF086  }
0x25: {  	[simem:s6], [sflag:s4] =	dma.local [hbm:s3], $0xF7A  }
0x26: {  	[smem:$0x3F9E] =	sst s1;
	(tag) =	ssettag s2;
	_ =	strace s9  }
0x27: {  	s1 =	sld [smem:$0x3FAE]  }
0x28: {  	s2 =	sld [smem:$0x3FAF]  }
0x29: {  	s4 =	sld [smem:$0x3FB1]  }
0x2a: {  	p0 =	seq.s32 s5, $0x0;
	s5 =	sld [smem:$0x3FB2]  }
0x2b: {  	s6 =	sld [smem:$0x3FB3]  }
0x2c: {  	s7 =	sld [smem:$0x3FB4]  }
0x2d: {  	s3 =	simm.s32 $0x108;
	s8 =	sld [smem:$0x3FB5]  }
0x2e: {  	s3 =	simm.s32 @!p0 $0x1082;
	s9 =	sld [smem:$0x3FB6]  }
0x2f: {  	lr =	sadd.s32 s0, s3;
	s0 =	sld [smem:$0x3FAD]  }
0x30: {  	s3 =	sld [smem:$0x3FB0]  }
0x31: {  	[smem:$0x3FB9] =	sst s10  }
0x32: {  	s10 =	sld [smem:$0x3FB7];
	_ =	sdelay $0x3  }
0x33: {  	p0 =	seq.s32 s10, $0x1;
	s10 =	sld [smem:$0x3FB9];
	_ =	sdelay $0x3  }
0x34: {  	[smem:$0x3FB9] =	sst s10  }
0x35: {  	s10 =	sld [smem:$0x3FB8];
	_ =	sdelay $0x3  }
0x36: {  	p1 =	seq.s32 s10, $0x1;
	s10 =	sld [smem:$0x3FB9];
	_ =	sdelay $0x3  }
0x37: {  	[smem:$0x3FB9] =	sst s10  }
0x38: {  	s10 =	sld [smem:$0x3FBA]  }
0x39: {  	_ = 	snop;
	(pc) =	sbr.ind lr, $3  }
0x3a: {  	_ = 	snop  }
0x3b: {  	_ = 	snop  }
0x3c: {  	p2 =	seq.s32 s10, $0x1;
	s10 =	sld [smem:$0x3FB9]  }
0x3d: {  	_ =	shalt  }
0x3e: {  	_ =	shalt  }
0x3f: {  	_ =	shalt  }
0x40: {  	_ =	shalt  }
0x41: {  	_ =	shalt  }
0x42: {  	_ =	shalt  }
0x43: {  	_ =	shalt  }
0x44: {  	_ =	shalt  }
0x45: {  	_ =	shalt  }
0x46: {  	_ =	shalt  }
0x47: {  	_ =	shalt  }
0x48: {  	_ =	shalt  }
0x49: {  	_ =	shalt  }
0x4a: {  	_ =	shalt  }
0x4b: {  	_ =	shalt  }
0x4c: {  	_ =	shalt  }
0x4d: {  	_ =	shalt  }
0x4e: {  	_ =	shalt  }
0x4f: {  	_ =	shalt  }
0x50: {  	_ =	shalt  }
0x51: {  	_ =	shalt  }
0x52: {  	_ =	shalt  }
0x53: {  	_ =	shalt  }
0x54: {  	_ =	shalt  }
0x55: {  	_ =	shalt  }
0x56: {  	_ =	shalt  }
0x57: {  	_ =	shalt  }
0x58: {  	_ =	shalt  }
0x59: {  	_ =	shalt  }
0x5a: {  	_ =	shalt  }
0x5b: {  	_ =	shalt  }
0x5c: {  	_ =	shalt  }
0x5d: {  	_ =	shalt  }
0x5e: {  	_ =	shalt  }
0x5f: {  	_ =	shalt  }
0x60: {  	_ =	shalt  }
0x61: {  	_ =	shalt  }
0x62: {  	_ =	shalt  }
0x63: {  	_ =	shalt  }
0x64: {  	_ =	shalt  }
0x65: {  	_ =	shalt  }
0x66: {  	_ =	shalt  }
0x67: {  	_ =	shalt  }
0x68: {  	_ =	shalt  }
0x69: {  	_ =	shalt  }
0x6a: {  	_ =	shalt  }
0x6b: {  	_ =	shalt  }
0x6c: {  	_ =	shalt  }
0x6d: {  	_ =	shalt  }
0x6e: {  	_ =	shalt  }
0x6f: {  	_ =	shalt  }
0x70: {  	_ =	shalt  }
0x71: {  	_ =	shalt  }
0x72: {  	_ =	shalt  }
0x73: {  	_ =	shalt  }
0x74: {  	_ =	shalt  }
0x75: {  	_ =	shalt  }
0x76: {  	_ =	shalt  }
0x77: {  	_ =	shalt  }
0x78: {  	_ =	shalt  }
0x79: {  	_ =	shalt  }
0x7a: {  	_ =	shalt  }
0x7b: {  	_ =	shalt  }
0x7c: {  	_ =	shalt  }
0x7d: {  	_ =	shalt  }
0x7e: {  	_ =	shalt  }
0x7f: {  	_ =	shalt  }
0x80: {  	_ =	shalt  }
0x81: {  	_ =	shalt  }
0x82: {  	_ =	shalt  }
0x83: {  	_ =	shalt  }
0x84: {  	_ =	shalt  }
0x85: {  	_ =	shalt  }
0x86: {  	_ =	shalt  }
0x87: {  	_ =	shalt  }
.Lfunc_end0:
.L_simem_size_0:
called_computation.1_lowered:
.L_overlay_start_0:
0x88: {  	s2 =	sld [smem:$0x3FD9]  }
0x89: {  	s3 =	sld [smem:$0x3FFE];
	_ =	sdelay $0x1  }
0x8a: {  	s1 =	srdreg.scid  }
0x8b: {  	s0 =	sand.u32 $0x1, s1  }
0x8c: {  	s17 =	sshll.u32 s0, $0xA;
	s2 =	sadd.s32 s3, s2  }
0x8d: {  	s2 =	sadd.s32 s2, s17  }
0x8e: {  	[smem:$0x3FC5] =	sst s2  }
0x8f: {  	_ = 	snop  }
0x90: {  	s2 =	sld [smem:$0x3FD0];
	(tm) =	ssettm $0x1  }
0x91: {  	s18 =	sld [smem:$0x3FFB];
	_ =	sdelay $0x3  }
0x92: {  	_ =	strace s18  }
0x93: {  	s3 =	sld [smem:$0x3FFC];
	_ =	sdelay $0x3  }
0x94: {  	_ =	strace s3  }
0x95: {  	s3 =	sld [smem:$0x3FFD];
	_ =	sdelay $0x3  }
0x96: {  	_ =	strace s3  }
0x97: {  	_ =	strace $0x8FFFFFFF  }
0x98: {  	s19 =	sld [smem:$0x3FDB];
	_ =	sdelay $0x1  }
0x99: {  	s4 =	simm.s32 $_scs_section_size  }
0x9a: {  	s5 =	simm.s32 $_size__tile_overlayer_lowered;
	s6 =	simm.s32 $_tile_overlayer_lowered  }
0x9b: {  	s22 =	simm.s32 $0x1BFF;
	s21 =	sshll.u32 s6, $0x1;
	s3 =	sadd.s32 s4, s19  }
0x9c: {  	s7 =	simm.s32 $0x0;
	s20 =	sshll.u32 s5, $0x1;
	s5 =	sadd.s32 s21, s3  }
0x9d: {  	[timem:s7], [sflag:s22] =	dma.local [hbm:s5], s20  }
0x9e: {  	_ =	swait.ge [sflag:s22], s20  }
0x9f: {  	s4 =	ssub.s32 $0x0, s20;
	[sflag:s22] =	ssyncset.done $0x0  }
0xa0: {  	[sflag:s22] =	ssyncadd.s32 s4;
	_ =	sdelay $0x1  }
0xa1: {  	s23 =	simm.s32 $0x1B8B  }
0xa2: {  	_ =	swait.ge [sflag:s23], $0x1  }
0xa3: {  	[sflag:s23] =	ssyncset.done $0x0  }
0xa4: {  	s25 =	simm.s32 $0x1B8E;
	s24 =	sld [smem:$0x3FFE];
	[sflag:s23] =	ssyncadd.s32 $0xFFFFFFFF  }
0xa5: {  	s26 =	simm.s32 $execute0_lowered;
	[smem:$0x3FD2] =	sst s25  }
0xa6: {  	s5 =	sshll.u32 s26, $0x1;
	_ =	strace $0x80000049;
	[dreg:$0x1] =	wrdreg $0xFFFFFFFF  }
0xa7: {  	s28 =	simm.s32 $_size_execute0_lowered;
	s3 =	sadd.s32 s3, s5;
	[dreg:$0x0] =	wrdreg $0x0  }
0xa8: {  	s5 =	sshll.u32 s28, $0x1;
	[dreg:$0x2] =	wrdreg s3  }
0xa9: {  	[dreg:$0x3] =	wrdreg s5  }
0xaa: {  	[dreg:$0x4] =	wrdreg $0xC0  }
0xab: {  	_ =	task [dreg:s7], $0x5FFFF  }
0xac: {  	[dreg:$0x1] =	wrdreg $0xFFFFFFFF  }
0xad: {  	[dreg:$0x0] =	wrdreg $0x60  }
0xae: {  	[dreg:$0x2] =	wrdreg s2  }
0xaf: {  	[dreg:$0x3] =	wrdreg s24  }
0xb0: {  	[dreg:$0x4] =	wrdreg $0x9  }
0xb1: {  	_ =	task.clear_ibuf [dreg:s7], $0x5FFFF;
	_ =	strace $0x90000049  }
0xb2: {  	s29 =	simm.s32 $0x9;
	_ =	strace $0x8000004B  }
0xb3: {  	_ =	swait.ge [sflag:s29], $0x1  }
0xb4: {  	[sflag:s29] =	ssyncadd.s32 $0xFFFFFFFF  }
0xb5: {  	_ =	strace $0x9000004B  }
0xb6: {  	_ =	sfence  }
0xb7: {  	s30 =	sld [smem:$0x0];
	_ =	sdelay $0x2  }
0xb8: {  	s31 =	sshll.u32 s1, $0xD;
	s1 =	sshrl.u32 s1, $0x2  }
0xb9: {  	s3 =	sand.u32 $0x4000, s31;
	s1 =	sadd.s32 s1, s30  }
0xba: {  	s0 =	sor.u32 s3, s0;
	s1 =	sshll.u32 s1, $0x11  }
0xbb: {  	s0 =	sor.u32 s1, s0  }
0xbc: {  	s0 =	sadd.s32 $0x8F2B, s0  }
0xbd: {  	[sflag:s0] =	ssyncadd.remote.s32 $0x1  }
0xbe: {  	_ =	sfence.sel $0xFFFF  }
0xbf: {  	[dreg:$0x0] =	wrdreg $0xFFFFFFFF;
	(pc) =	sbr.abs _section_cstart, $3  }
0xc0: {  	[dreg:$0x1] =	wrdreg $0xFFFFFFFF  }
0xc1: {  	_ =	task.clear_ibuf [dreg:s7], $0x2FFFF;
	_ =	strace $0x9FFFFFFF  }
0xc2: {  	(tm) =	ssettm $0x7FFFFFFF  }
0xc3: {  	_ =	shalt  }
tec
execute0_lowered:
.L_overlay_start_1:
0x0: {  	(tag) =	ssettag $0x1  }
0x1: {  	s0 =	rddreg [dreg:$0x1];
	s1 =	srdreg.scid  }
0x2: {  	s3 =	simm.s32 $0x0;
	s2 =	stileid.u32;
	s28 =	simm.s32 $0x8000  }
0x3: {  	s29 =	simm.s32 $0xA000;
	s30 =	simm.s32 $0xC000;
	s31 =	simm.s32 $0xE000  }
0x4: {  	s1 =	sand.u32 $0x1, s1;
	[smem:$0x7FF] =	sst s3;
	s2 =	sshll.u32 s2, $0x5  }
0x5: {  	s5 =	sadd.s32 $0x10C00, s0;
	s18 =	sadd.s32 $0xC00, s0;
	s11 =	sadd.s32 $0x30C00, s0  }
0x6: {  	s4 =	sshll.u32 s1, $0x4;
	_ =	strace $0x8000004A;
	[dreg:$0x3] =	wrdreg s5  }
0x7: {  	[dreg:$0x5] =	wrdreg s18;
	s1 =	ssub.s32 $0x2, s1;
	s17 =	sor.u32 s4, s2  }
0x8: {  	[dreg:$0x6] =	wrdreg s11;
	s20 =	sshrl.u32 s1, $0x1;
	s19 =	smax.u32 s17, $0x10  }
0x9: {  	s0 =	ssub.s32 s1, s20;
	s21 =	smax.u32 s17, $0x9;
	s22 =	smin.u32 s17, $0x1E8  }
0xa: {  	s4 =	sadd.s32 $0xFFFFFFFF, s17;
	s24 =	sadd.s32 $0x10, s17;
	s25 =	smin.u32 s17, $0x9  }
0xb: {  	s20 =	simm.s32 $0x2;
	[dreg:$0x4] =	wrdreg s17;
	s1 =	sadd.s32 $0xFFFFFFF7, s21  }
0xc: {  	s2 =	smin.u32 s19, $0x1E8;
	s0 =	smax.u32 s0, $0x1;
	[dreg:$0x8] =	wrdreg s1  }
0xd: {  	s12 =	scvt.s32.f32 s4;
	s1 =	sadd.s32 $0x18, s22;
	[dreg:$0xb] =	wrdreg s0  }
0xe: {  	s13 =	scvt.s32.f32 s24;
	s6 =	sadd.s32 $0xFFFFFFF0, s2;
	[dreg:$0x9] =	wrdreg s1  }
0xf: {  	s24 =	simm.s32 $0x2000;
	s2 =	ssub.s32 s17, s2;
	[dreg:$0x7] =	wrdreg s6  }
0x10: {  	v0 =	vmov s17;
	s23 =	sshll.u32 s6, $0x9;
	s26 =	ssub.s32 s2, s25;
	s25 =	simm.s32 $0x4000  }
0x11: {  	v1 =	vimm.f32 $0.0e+00;
	v0 =	vsub.s32 $0x0, v0;
	s1 =	simm.s32 $0x0;
	[dreg:$0xa] =	wrdreg s23;
	s0 =	sadd.s32 $0x10, s26  }
0x12: {  	v2 =	vlaneseq.u32;
	v3 =	vimm.s32 $0x0;
	v0 =	vbroadcast v0, $0x0;
	s23 =	simm.s32 $0x10000;
	s26 =	simm.s32 $0x6000;
	[dreg:$0xc] =	wrdreg s0  }
.LBB2_1:
0x13: {  	[dreg:$0xd] =	wrdreg s1;
	s4 =	simm.s32 $0x0  }
.LBB2_2:
0x14: {  	s0 =	simm.s32 $0x20  }
0x15: {  	[tilespmem:s0+$0xFFFFFFE0] =	vst v1  }
0x16: {  	[tilespmem:s0+$0x10] =	vst v1  }
0x17: {  	s1 =	simm.s32 $0x0;
	[tilespmem:s0+$0x0] =	vst v1  }
.LBB2_3:
0x18: {  	s1 =	sadd.s32 $0x4, s1  }
0x19: {  	[tilespmem:s0+$0xFFFFFFF0] =	vst v1;
	s0 =	sadd.s32 $0x40, s0;
	p0 =	slt.u32 s1, $0x11FC  }
.Ltmp0:
0x1a: {  	[tilespmem:s0+$0xFFFFFFE0] =	vst v1;
	(pc) =	sbr.rel @p0 .LBB2_3-.Ltmp0, $3  }
0x1b: {  	_ =	sdelay $0x1  }
0x1c: {  	[tilespmem:s0+$0x10] =	vst v1  }
0x1d: {  	[tilespmem:s0+$0x0] =	vst v1  }
0x1e: {  	s5 =	sshrl.u32 s4, $0x2  }
0x1f: {  	s2 =	rddreg [dreg:$0xa];
	s1 =	sshll.u32 s5, $0x13  }
0x20: {  	s1 =	sadd.s32 s2, s1  }
0x21: {  	[dreg:$0x11] =	wrdreg s1  }
0x22: {  	[tilespmem:s0+$0xFFFFFFF0] =	vst v1  }
0x23: {  	s6 =	sand.u32 $0x3, s4;
	s16 =	simm.s32 $0x1000;
	[dreg:$0xe] =	wrdreg s4  }
0x24: {  	s17 =	simm.s32 $0x40000;
	s18 =	simm.s32 $0x1A000;
	s0 =	rddreg [dreg:$0x3]  }
0x25: {  	s19 =	sshll.u32 s5, $0x17;
	s22 =	sshll.u32 s5, $0x12;
	[dreg:$0x10] =	wrdreg s6  }
.Ltmp1:
0x26: {  	s1 =	sshrl.u32 s1, $0x3;
	[dreg:$0xf] =	wrdreg s5;
	(pc) =	sbr.rel .LBB2_5-.Ltmp1, $4  }
0x27: {  	s21 =	sshll.u32 s6, $0x15;
	[dreg:$0x13] =	wrdreg s22;
	s0 =	sadd.s32 s0, s1  }
0x28: {  	[tilespmem:s18], [sflag:$0x2] =	stream.strided.gather [hbm4b:s0+s16], $0x2000, s17, s16, $0x38;
	[tilespmem:$0x1F000] =	vst v63  }
0x29: {  	s15 =	rddreg [dreg:$0xc];
	s0 =	sor.u32 s21, s19  }
0x2a: {  	p0 =	por $0x0, $0x0;
	s2 =	simm.s32 $0x0;
	[dreg:$0x12] =	wrdreg s0  }
.LBB2_14:
0x2b: {  	p1 =	seq.s32 s2, $0x5  }
.Ltmp2:
0x2c: {  	_ = 	snop;
	(pc) =	sbr.rel @p1 .LBB2_15-.Ltmp2, $2  }
0x2d: {  	_ =	sdelay $0x2  }
0x2e: {  	p0 =	por !p0, !p0;
	s15 =	sadd.s32 $0xFFFFFFF8, s15  }
.LBB2_5:
0x2f: {  	s1 =	sshll.u32 s2, $0x3;
	s19 =	rddreg [dreg:$0x7]  }
0x30: {  	s21 =	rddreg [dreg:$0x9];
	s11 =	sadd.s32 s19, s1  }
0x31: {  	s0 =	smov.u32 s2;
	s22 =	rddreg [dreg:$0x8];
	s2 =	ssub.s32 s21, s11  }
0x32: {  	s1 =	ssub.s32 s22, s11;
	p1 =	sgt.s32 s2, $0x0  }
0x33: {  	p2 =	sgt.s32 s1, $0x0;
	s2 =	simm.s32 @!p1 $0x0  }
0x34: {  	s1 =	simm.s32 @!p2 $0x0;
	s16 =	smin.u32 s2, $0x8  }
0x35: {  	p1 =	sge.u32 s1, s16  }
0x36: {  	s4 =	rddreg [dreg:$0x12];
	s2 =	sshll.u32 @!p1 s11, $0x9  }
0x37: {  	s2 =	sadd.s32 @!p1 s2, s4  }
0x38: {  	s5 =	simm.s32 @!p1 $0x40000;
	s4 =	rddreg [dreg:$0x0];
	s2 =	sshrl.u32 @!p1 s2, $0x3  }
0x39: {  	s6 =	simm.s32 @!p1 $0x12000;
	s2 =	sadd.s32 @!p1 s4, s2;
	s4 =	simm.s32 @!p1 $0x1000  }
0x3a: {  	[tilespmem:s6], [sflag:$0x1] =	stream.strided.gather @!p1 [hbm4b:s2+s4], $0x8000, s5, s4, $0x38;
	[tilespmem:$0x1F000] =	vst v63  }
0x3b: {  	p2 =	seq.s32 s0, $0x4;
	s2 =	sadd.s32 $0x1, s0  }
0x3c: {  	s6 =	simm.s32 @!p2 $0x40000;
	_ =	swait.ge [sflag:s20], $0x2000;
	s0 =	sshll.u32 @!p2 s2, $0xC  }
.Ltmp3:
0x3d: {  	s4 =	sshll.u32 @!p2 s2, $0xD;
	s5 =	rddreg [dreg:$0x11];
	(pc) =	sbr.rel @p1 .LBB2_14-.Ltmp3, $4  }
0x3e: {  	[sflag:s20] =	ssyncset.done $0x0;
	s4 =	sand.u32 @!p2 $0x2000, s4;
	s0 =	sadd.s32 @!p2 s0, s5  }
0x3f: {  	[sflag:s20] =	ssyncadd.s32 $0xFFFFE000;
	s5 =	rddreg [dreg:$0x3];
	s0 =	sshrl.u32 @!p2 s0, $0x3  }
0x40: {  	s4 =	sadd.s32 @!p2 $0x1A000, s4;
	s0 =	sadd.s32 @!p2 s5, s0;
	s5 =	simm.s32 @!p2 $0x1000  }
0x41: {  	[tilespmem:s4], [sflag:$0x2] =	stream.strided.gather @!p2 [hbm4b:s0+s5], $0x2000, s6, s5, $0x38;
	[tilespmem:$0x1F000] =	vst v63  }
0x42: {  	p1 =	sgt.s32 s15, $0x0;
	s0 =	smov.u32 s15;
	s5 =	rddreg [dreg:$0x13]  }
0x43: {  	s4 =	sshll.u32 s11, $0x9;
	s6 =	rddreg [dreg:$0x5];
	s14 =	simm.s32 $0x1E000  }
0x44: {  	s18 =	simm.s32 $0x4;
	s22 =	simm.s32 $0x1;
	s9 =	simm.s32 $0x1E030  }
0x45: {  	s0 =	simm.s32 @!p1 $0x0;
	s4 =	sadd.s32 s5, s4;
	s5 =	simm.s32 $0x1  }
0x46: {  	s0 =	smin.u32 s0, $0x8;
	s4 =	sshrl.u32 s4, $0x3;
	s5 =	simm.s32 @!p0 $0x0  }
0x47: {  	s0 =	sshll.u32 s0, $0xB;
	s4 =	sadd.s32 s6, s4;
	s17 =	sshll.u32 s5, $0xF  }
0x48: {  	[tilespmem:s14], [sflag:$0x4] =	stream.linear.gather [hbm4b:s4+s3], $0x1000, $0x38;
	[tilespmem:$0x1F000] =	vst v63  }
0x49: {  	s5 =	smin.u32 s1, $0x8;
	s7 =	sshrl.u32 s0, $0x2;
	_ =	swait.ge [sflag:s18], $0x1000  }
.Ltmp4:
0x4a: {  	s0 =	sor.u32 s0, s17;
	v4 =	vmov s7;
	[sflag:s18] =	ssyncset.done $0x0;
	(pc) =	sbr.rel .LBB2_7-.Ltmp4, $4  }
0x4b: {  	s4 =	sshrl.u32 s17, $0x2;
	s21 =	sor.u32 $0x12000, s7;
	[sflag:s18] =	ssyncadd.s32 $0xFFFFF000  }
0x4c: {  	s14 =	sor.u32 $0x1E1E0, s7;
	s19 =	sshrl.u32 s0, $0x2;
	_ =	swait.ge [sflag:s22], $0x8000  }
0x4d: {  	s10 =	sadd.s32 $0x1B050, s4;
	s0 =	sadd.s32 $0x1B1E0, s19;
	[sflag:s22] =	ssyncset.done $0x0  }
0x4e: {  	s6 =	sadd.s32 $0x1B000, s19;
	s18 =	simm.s32 $0x12000;
	[sflag:s22] =	ssyncadd.s32 $0xFFFF8000  }
.LBB2_13:
0x4f: {  	s5 =	sadd.s32 $0x1, s5  }
0x50: {  	p1 =	slt.u32 s5, s16  }
.Ltmp5:
0x51: {  	_ = 	snop;
	(pc) =	sbr.rel @!p1 .LBB2_14-.Ltmp5, $4  }
0x52: {  	_ = 	snop  }
0x53: {  	s6 =	sadd.s32 $0x200, s6  }
0x54: {  	s18 =	sadd.s32 $0x200, s18;
	s10 =	sadd.s32 $0x200, s10;
	s9 =	sadd.s32 $0x200, s9  }
0x55: {  	s21 =	sadd.s32 $0x200, s21;
	s14 =	sadd.s32 $0x200, s14;
	s0 =	sadd.s32 $0x200, s0  }
.LBB2_7:
0x56: {  	v6 =	vmov s6;
	_ =	sdelay $0x3  }
0x57: {  	s4 =	simm.s32 $0x0  }
0x58: {  	v7 =	vimm.f32 $-1.000000020e+30;
	v5 =	vimm.f32 $1.000000020e+30;
	s1 =	simm.s32 $0x40;
	v8 =	vld.idx.msk [tilespmem:v6+s4+$0x0 ss:$0x1], $0xffff  }
.LBB2_8:
0x59: {  	p1 =	sne.s32 s1, $0x7C0  }
.Ltmp6:
0x5a: {  	_ = 	snop;
	(pc) =	sbr.rel @p1 .LBB2_8-.Ltmp6, $3  }
0x5b: {  	_ =	sdelay $0x1  }
0x5c: {  	s4 =	sshra.s32 s1, $0x2;
	s1 =	sadd.s32 $0x40, s1  }
0x5d: {  	v7 =	vmax.f32 v7, v8;
	v5 =	vmin.f32 v5, v8;
	v8 =	vld.idx.msk [tilespmem:v6+s4+$0x0 ss:$0x1], $0xffff  }
0x5e: {  	_ =	sdelay $0x3  }
0x5f: {  	v6 =	vmax.f32 v7, v8  }
0x60: {  	(xrf0) =	vmax.scan.msk.f32 $0xffff, v6  }
0x61: {  	v5 =	vmin.f32 v5, v8  }
0x62: {  	(xrf0) =	vmin.scan.msk.f32 $0xffff, v5;
	_ =	sdelay $0x3  }
0x63: {  	v5, _, _ =	vpop (xrf0)  }
0x64: {  	(v2sf) =	vpush v5, $0xF  }
0x65: {  	v5, _, _ =	vpop (xrf0)  }
0x66: {  	(v2sf) =	vpush v5, $0xF;
	_ =	sdelay $0xa  }
0x67: {  	s1 =	sadd.s32 s11, s5  }
0x68: {  	s1 =	scvt.s32.f32 s1  }
0x69: {  	s4 =	spop (v2sf)  }
0x6a: {  	s4 =	sadd.f32 s1, s4  }
0x6b: {  	s7 =	spop (v2sf)  }
0x6c: {  	p1 =	sge.f32 s4, s12;
	s4 =	sadd.f32 s1, s7  }
0x6d: {  	_ = 	snop  }
0x6e: {  	p2 =	slt.f32 @p1 s4, s13;
	_ =	sdelay $0x1  }
0x6f: {  	p1 =	por !p1, !p2  }
.Ltmp7:
0x70: {  	_ = 	snop;
	(pc) =	sbr.rel @p1 .LBB2_13-.Ltmp7, $1  }
0x71: {  	_ =	sdelay $0x3  }
0x72: {  	s8 =	simm.s32 $0xFFFFFFFA;
	s7 =	simm.s32 $0x0;
	s22 =	smov.u32 s9  }
0x73: {  	v5 =	vmov s1;
	s1 =	smov.u32 s10;
	s4 =	simm.s32 $0x0;
	s19 =	smov.u32 s18  }
.LBB2_11:
0x74: {  	v6 =	vld.idx.msk [tilespmem:v4+s1+$0xFFFFEFB0 ss:$0x1], $0xffff  }
0x75: {  	v7 =	vld.idx.msk [tilespmem:v4+s1+$0xFFFFFFB0 ss:$0x1], $0xffff;
	_ =	sdelay $0x1  }
0x76: {  	v8 =	vor.u32 s4, v2  }
0x77: {  	v8 =	vcvt.s32.f32 v8;
	_ =	sdelay $0x1  }
0x78: {  	v6 =	vadd.f32 v8, v6;
	v7 =	vadd.f32 v7, v5  }
0x79: {  	v10 =	vld.idx.msk [tilespmem:v4+s22+$0xFFFFFFD0 ss:$0x1], $0xffff  }
0x7a: {  	v8 =	vtrunc.f32 v6;
	v9 =	vtrunc.f32 v7  }
0x7b: {  	v8 =	vcvt.f32.s32 v8;
	v9 =	vcvt.f32.s32 v9;
	_ =	sdelay $0x1  }
0x7c: {  	s17 =	sadd.s32 $0x10, s4;
	v11 =	vcvt.s32.f32 v8;
	v12 =	vcvt.s32.f32 v9  }
0x7d: {  	v45 =	vld.idx.msk [tilespmem:v4+s1+$0xFFFFFFC0 ss:$0x1], $0xffff;
	v46 =	vor.u32 s17, v2;
	v10 =	vmul.f32 $1.442695020e+00, v10  }
0x7e: {  	v47 =	vcvt.s32.f32 v46;
	v13 =	vadd.f32 $-1.000000000e+00, v11;
	v14 =	vadd.f32 $-1.000000000e+00, v12  }
0x7f: {  	(erf) = vpow2.f32 v10;
	vm0 =	vlt.f32 v6, v11;
	vm9 =	vlt.f32 v7, v12  }
0x80: {  	v15 =	vsel vm0, $0xFFFFFFFF, v3;
	v11 =	vsel vm0, v13, v11;
	v12 =	vsel vm9, v14, v12  }
0x81: {  	v34 =	vsel vm9, $0xFFFFFFFF, v3;
	v35 =	vsub.f32 v6, v11;
	v36 =	vsub.f32 v7, v12  }
0x82: {  	v6 =	vadd.s32 v9, v0;
	v7 =	vadd.s32 v8, v15;
	v11 =	vadd.f32 v45, v5  }
0x83: {  	v6 =	vadd.s32 v34, v6;
	v40 =	vadd.s32 $0x1, v7;
	vm4 =	vlt.u32 v7, $0x200  }
0x84: {  	v37 =	vsub.f32 $1.000000000e+00, v35;
	v38 =	vsub.f32 $1.000000000e+00, v36;
	v39 =	vadd.s32 $0x1, v6  }
0x85: {  	v18 =	vld.idx.msk [tilespmem:v4+s1+$0xFFFFEFC0 ss:$0x1], $0xffff;
	vm10 =	vlt.u32 v6, $0x10;
	vm5 =	vlt.u32 v40, $0x200;
	v6 =	vshll.u32 v6, $0x9  }
0x86: {  	v10 =	vmul.f32 v36, v35;
	v50 =	vtrunc.f32 v11;
	vm1 =	vlt.u32 v39, $0x10  }
0x87: {  	vm3 =	vmand vm4, vm10;
	vm2 =	vmand vm5, vm10;
	v6 =	vadd.s32 v7, v6  }
0x88: {  	v7 =	vand.u32 $0x7, v7;
	vm0 =	vmand vm4, vm1;
	v41 =	vand.u32 $0xFFFFFFF8, v6  }
0x89: {  	v19 =	vld.idx.msk [tilespmem:v4+s22+$0xFFFFFFE0 ss:$0x1], $0xffff;
	v43 =	vpop (erf);
	v42 =	vmul.f32 v38, v37;
	v8 =	vadd.s32 $0x1, v6;
	vm1 =	vmand vm5, vm1  }
0x8a: {  	v44 =	vmul.f32 v38, v35;
	v15 =	vmul.f32 v10, v43;
	v10 =	vadd.f32 v47, v18  }
0x8b: {  	v12 =	vmul.f32 v36, v37;
	v18 =	vcvt.f32.s32 v50;
	v7 =	vor.u32 v7, v41  }
0x8c: {  	v9 =	vadd.s32 $0x200, v7;
	v16 =	vmul.f32 v42, v43;
	v49 =	vtrunc.f32 v10  }
0x8d: {  	v7 =	vadd.s32 $0x201, v6;
	v22 =	vcvt.s32.f32 v18;
	v13 =	vcvt.f32.s32 v49  }
0x8e: {  	v19 =	vmul.f32 $1.442695020e+00, v19;
	v14 =	vmul.f32 v44, v43  }
0x8f: {  	v17 =	vmul.f32 v12, v43;
	v26 =	vadd.f32 $-1.000000000e+00, v22;
	[tilespmem:v6+s23+$0x0] =	vst.idx.add.f32.msk vm3, v16;
	v20 =	vcvt.s32.f32 v13  }
0x90: {  	(erf) = vpow2.f32 v19;
	vm12 =	vlt.f32 v11, v22;
	[tilespmem:v8+s23+$0x0] =	vst.idx.add.f32.msk vm2, v14  }
0x91: {  	v22 =	vsel vm12, v26, v22;
	[tilespmem:v9+s23+$0x0] =	vst.idx.add.f32.msk vm0, v17;
	v25 =	vadd.f32 $-1.000000000e+00, v20;
	vm11 =	vlt.f32 v10, v20  }
0x92: {  	v54 =	vadd.s32 v18, v0;
	v53 =	vsub.f32 v11, v22;
	[tilespmem:v7+s23+$0x0] =	vst.idx.add.f32.msk vm1, v15;
	v27 =	vsel vm11, $0xFFFFFFFF, v3  }
0x93: {  	v51 =	vsel vm12, $0xFFFFFFFF, v3;
	v48 =	vld.idx.msk [tilespmem:v4+s19+$0x0 ss:$0x1], $0xffff;
	v20 =	vsel vm11, v25, v20;
	v13 =	vadd.s32 v13, v27  }
0x94: {  	v22 =	vsub.f32 $1.000000000e+00, v53;
	v52 =	vsub.f32 v10, v20;
	v10 =	vadd.s32 v51, v54  }
0x95: {  	v57 =	vadd.s32 $0x1, v13;
	vm8 =	vlt.u32 v13, $0x200;
	v56 =	vadd.s32 $0x1, v10  }
0x96: {  	vm13 =	vlt.u32 v10, $0x10;
	vm9 =	vlt.u32 v57, $0x200;
	v10 =	vshll.u32 v10, $0x9  }
0x97: {  	v55 =	vsub.f32 $1.000000000e+00, v52;
	vm6 =	vlt.u32 v56, $0x10;
	vm7 =	vmand vm8, vm13  }
0x98: {  	vm5 =	vmand vm9, vm13;
	v11 =	vadd.s32 v13, v10;
	v21 =	vmul.f32 v16, v48  }
0x99: {  	v13 =	vand.u32 $0x7, v13;
	vm4 =	vmand vm8, vm6;
	v23 =	vmul.f32 v14, v48  }
0x9a: {  	v58 =	vand.u32 $0xFFFFFFF8, v11;
	v24 =	vmul.f32 v17, v48;
	v12 =	vmul.f32 v15, v48;
	[tilespmem:v6+s7+$0x0] =	vst.idx.add.f32.msk vm3, v21  }
0x9b: {  	v10 =	vadd.s32 $0x1, v11;
	v59 =	vmul.f32 v22, v55;
	v13 =	vor.u32 v13, v58;
	[tilespmem:v8+s7+$0x0] =	vst.idx.add.f32.msk vm2, v23  }
0x9c: {  	v60 =	vpop (erf);
	vm6 =	vmand vm9, vm6;
	v22 =	vmul.f32 v22, v52;
	v13 =	vadd.s32 $0x200, v13;
	[tilespmem:v9+s7+$0x0] =	vst.idx.add.f32.msk vm0, v24  }
0x9d: {  	v18 =	vmul.f32 v53, v55;
	v29 =	vmul.f32 v59, v60;
	[tilespmem:v7+s7+$0x0] =	vst.idx.add.f32.msk vm1, v12;
	v12 =	vadd.s32 $0x201, v11  }
0x9e: {  	v19 =	vmul.f32 v53, v52;
	v27 =	vmul.f32 v22, v60;
	v61 =	vld.idx.msk [tilespmem:v4+s19+$0x1000 ss:$0x1], $0xffff  }
0x9f: {  	v26 =	vmul.f32 v18, v60;
	[tilespmem:v11+s23+$0x0] =	vst.idx.add.f32.msk vm7, v29  }
0xa0: {  	v25 =	vmul.f32 v19, v60;
	[tilespmem:v10+s23+$0x0] =	vst.idx.add.f32.msk vm5, v27  }
0xa1: {  	[tilespmem:v13+s23+$0x0] =	vst.idx.add.f32.msk vm4, v26  }
0xa2: {  	[tilespmem:v12+s23+$0x0] =	vst.idx.add.f32.msk vm6, v25  }
0xa3: {  	v62 =	vmul.f32 v61, v16;
	v63 =	vld.idx.msk [tilespmem:v4+s19+$0x10 ss:$0x1], $0xffff  }
0xa4: {  	v24 =	vmul.f32 v61, v14  }
0xa5: {  	v28 =	vmul.f32 v61, v17;
	[tilespmem:v6+s24+$0x0] =	vst.idx.add.f32.msk vm3, v62  }
0xa6: {  	v30 =	vmul.f32 v61, v15;
	[tilespmem:v8+s24+$0x0] =	vst.idx.add.f32.msk vm2, v24  }
0xa7: {  	[tilespmem:v9+s24+$0x0] =	vst.idx.add.f32.msk vm0, v28  }
0xa8: {  	[tilespmem:v7+s24+$0x0] =	vst.idx.add.f32.msk vm1, v30;
	v31 =	vmul.f32 v29, v63  }
0xa9: {  	v32 =	vmul.f32 v27, v63;
	v20 =	vld.idx.msk [tilespmem:v4+s19+$0x2000 ss:$0x1], $0xffff  }
0xaa: {  	v33 =	vmul.f32 v26, v63;
	[tilespmem:v11+s7+$0x0] =	vst.idx.add.f32.msk vm7, v31  }
0xab: {  	v19 =	vmul.f32 v25, v63;
	[tilespmem:v10+s7+$0x0] =	vst.idx.add.f32.msk vm5, v32  }
0xac: {  	[tilespmem:v13+s7+$0x0] =	vst.idx.add.f32.msk vm4, v33  }
0xad: {  	[tilespmem:v12+s7+$0x0] =	vst.idx.add.f32.msk vm6, v19  }
0xae: {  	v34 =	vmul.f32 v20, v16;
	v19 =	vld.idx.msk [tilespmem:v4+s19+$0x1010 ss:$0x1], $0xffff  }
0xaf: {  	v51 =	vld.idx.msk [tilespmem:v4+s1+$0xFFFFEFD0 ss:$0x1], $0xffff;
	v35 =	vmul.f32 v20, v14  }
0xb0: {  	v36 =	vmul.f32 v20, v17;
	[tilespmem:v6+s25+$0x0] =	vst.idx.add.f32.msk vm3, v34  }
0xb1: {  	v20 =	vmul.f32 v20, v15;
	[tilespmem:v8+s25+$0x0] =	vst.idx.add.f32.msk vm2, v35  }
0xb2: {  	[tilespmem:v9+s25+$0x0] =	vst.idx.add.f32.msk vm0, v36  }
0xb3: {  	[tilespmem:v7+s25+$0x0] =	vst.idx.add.f32.msk vm1, v20;
	v37 =	vmul.f32 v19, v29  }
0xb4: {  	v38 =	vmul.f32 v19, v27;
	v20 =	vld.idx.msk [tilespmem:v4+s19+$0x3000 ss:$0x1], $0xffff  }
0xb5: {  	v39 =	vmul.f32 v19, v26;
	[tilespmem:v11+s24+$0x0] =	vst.idx.add.f32.msk vm7, v37  }
0xb6: {  	v19 =	vmul.f32 v19, v25;
	[tilespmem:v10+s24+$0x0] =	vst.idx.add.f32.msk vm5, v38  }
0xb7: {  	[tilespmem:v13+s24+$0x0] =	vst.idx.add.f32.msk vm4, v39  }
0xb8: {  	[tilespmem:v12+s24+$0x0] =	vst.idx.add.f32.msk vm6, v19  }
0xb9: {  	v40 =	vmul.f32 v20, v16;
	v19 =	vld.idx.msk [tilespmem:v4+s19+$0x2010 ss:$0x1], $0xffff  }
0xba: {  	v53 =	vld.idx.msk [tilespmem:v4+s1+$0xFFFFFFD0 ss:$0x1], $0xffff;
	v41 =	vmul.f32 v20, v14  }
0xbb: {  	v42 =	vmul.f32 v20, v17;
	[tilespmem:v6+s26+$0x0] =	vst.idx.add.f32.msk vm3, v40  }
0xbc: {  	v20 =	vmul.f32 v20, v15;
	[tilespmem:v8+s26+$0x0] =	vst.idx.add.f32.msk vm2, v41  }
0xbd: {  	[tilespmem:v9+s26+$0x0] =	vst.idx.add.f32.msk vm0, v42  }
0xbe: {  	[tilespmem:v7+s26+$0x0] =	vst.idx.add.f32.msk vm1, v20;
	v43 =	vmul.f32 v19, v29  }
0xbf: {  	v44 =	vmul.f32 v19, v27;
	v20 =	vld.idx.msk [tilespmem:v4+s19+$0x4000 ss:$0x1], $0xffff  }
0xc0: {  	v45 =	vmul.f32 v19, v26;
	[tilespmem:v11+s25+$0x0] =	vst.idx.add.f32.msk vm7, v43  }
0xc1: {  	v19 =	vmul.f32 v19, v25;
	[tilespmem:v10+s25+$0x0] =	vst.idx.add.f32.msk vm5, v44  }
0xc2: {  	[tilespmem:v13+s25+$0x0] =	vst.idx.add.f32.msk vm4, v45  }
0xc3: {  	[tilespmem:v12+s25+$0x0] =	vst.idx.add.f32.msk vm6, v19  }
0xc4: {  	v18 =	vld.idx.msk [tilespmem:v4+s19+$0x3010 ss:$0x1], $0xffff;
	v46 =	vmul.f32 v20, v16  }
0xc5: {  	v30 =	vld.idx.msk [tilespmem:v4+s22+$0xFFFFFFF0 ss:$0x1], $0xffff;
	v50 =	vmul.f32 v20, v14  }
0xc6: {  	v52 =	vmul.f32 v20, v17;
	[tilespmem:v6+s28+$0x0] =	vst.idx.add.f32.msk vm3, v46  }
0xc7: {  	v54 =	vmul.f32 v20, v15;
	[tilespmem:v8+s28+$0x0] =	vst.idx.add.f32.msk vm2, v50  }
0xc8: {  	v23 =	vadd.f32 v53, v5;
	[tilespmem:v9+s28+$0x0] =	vst.idx.add.f32.msk vm0, v52  }
0xc9: {  	v47 =	vmul.f32 v18, v29;
	[tilespmem:v7+s28+$0x0] =	vst.idx.add.f32.msk vm1, v54  }
0xca: {  	s17 =	sadd.s32 $0x20, s4;
	v28 =	vtrunc.f32 v23;
	v48 =	vmul.f32 v18, v27;
	v19 =	vld.idx.msk [tilespmem:v4+s19+$0x5000 ss:$0x1], $0xffff  }
0xcb: {  	v55 =	vor.u32 s17, v2;
	v60 =	vcvt.f32.s32 v28;
	v49 =	vmul.f32 v18, v26;
	[tilespmem:v11+s26+$0x0] =	vst.idx.add.f32.msk vm7, v47  }
0xcc: {  	v20 =	vcvt.s32.f32 v55;
	v18 =	vmul.f32 v18, v25;
	[tilespmem:v10+s26+$0x0] =	vst.idx.add.f32.msk vm5, v48  }
0xcd: {  	[tilespmem:v13+s26+$0x0] =	vst.idx.add.f32.msk vm4, v49  }
0xce: {  	v63 =	vcvt.s32.f32 v60;
	v20 =	vadd.f32 v20, v51;
	[tilespmem:v12+s26+$0x0] =	vst.idx.add.f32.msk vm6, v18  }
0xcf: {  	v18 =	vld.idx.msk [tilespmem:v4+s19+$0x4010 ss:$0x1], $0xffff  }
0xd0: {  	vm15 =	vlt.f32 v23, v63;
	v30 =	vmul.f32 $1.442695020e+00, v30;
	v59 =	vtrunc.f32 v20  }
0xd1: {  	v21 =	vadd.s32 v60, v0;
	v37 =	vsel vm15, $0xFFFFFFFF, v3;
	v24 =	vcvt.f32.s32 v59  }
0xd2: {  	(erf) = vpow2.f32 v30;
	v21 =	vadd.s32 v37, v21  }
0xd3: {  	v34 =	vadd.f32 $-1.000000000e+00, v63;
	vm8 =	vlt.u32 v21, $0x10;
	v62 =	vcvt.s32.f32 v24  }
0xd4: {  	v43 =	vadd.s32 $0x1, v21;
	v61 =	vmul.f32 v19, v16;
	v56 =	vmul.f32 v18, v29  }
0xd5: {  	v59 =	vld.idx.msk [tilespmem:v4+s1+$0xFFFFFFE0 ss:$0x1], $0xffff;
	vm14 =	vlt.f32 v20, v62;
	v31 =	vmul.f32 v19, v14;
	v57 =	vmul.f32 v18, v27  }
0xd6: {  	v33 =	vadd.f32 $-1.000000000e+00, v62;
	v32 =	vmul.f32 v19, v17;
	v58 =	vmul.f32 v18, v26;
	[tilespmem:v11+s28+$0x0] =	vst.idx.add.f32.msk vm7, v56  }
0xd7: {  	v35 =	vsel vm14, $0xFFFFFFFF, v3;
	v19 =	vmul.f32 v19, v15;
	v18 =	vmul.f32 v18, v25;
	[tilespmem:v10+s28+$0x0] =	vst.idx.add.f32.msk vm5, v57  }
0xd8: {  	v21 =	vshll.u32 v21, $0x9;
	v22 =	vsel vm14, v33, v62;
	v40 =	vadd.s32 v24, v35;
	[tilespmem:v13+s28+$0x0] =	vst.idx.add.f32.msk vm4, v58  }
0xd9: {  	vm9 =	vlt.u32 v43, $0x10;
	v20 =	vsub.f32 v20, v22;
	[tilespmem:v12+s28+$0x0] =	vst.idx.add.f32.msk vm6, v18;
	v18 =	vsel vm15, v34, v63  }
0xda: {  	v44 =	vadd.s32 $0x1, v40;
	vm10 =	vlt.u32 v40, $0x200;
	[tilespmem:v6+s29+$0x0] =	vst.idx.add.f32.msk vm3, v61;
	v18 =	vsub.f32 v23, v18  }
0xdb: {  	v30 =	vadd.s32 v40, v21;
	vm11 =	vlt.u32 v44, $0x200;
	vm14 =	vmand vm10, vm8;
	[tilespmem:v8+s29+$0x0] =	vst.idx.add.f32.msk vm2, v31  }
0xdc: {  	vm12 =	vmand vm10, vm9;
	v41 =	vsub.f32 $1.000000000e+00, v20;
	[tilespmem:v9+s29+$0x0] =	vst.idx.add.f32.msk vm0, v32;
	v42 =	vsub.f32 $1.000000000e+00, v18  }
0xdd: {  	v21 =	vand.u32 $0xFFFFFFF8, v30;
	vm13 =	vmand vm11, vm8;
	[tilespmem:v7+s29+$0x0] =	vst.idx.add.f32.msk vm1, v19;
	v23 =	vand.u32 $0x7, v40  }
0xde: {  	v31 =	vadd.s32 $0x1, v30;
	v50 =	vld.idx.msk [tilespmem:v4+s19+$0x6000 ss:$0x1], $0xffff;
	v21 =	vor.u32 v23, v21;
	v46 =	vmul.f32 v42, v41  }
0xdf: {  	v48 =	vpop (erf);
	v57 =	vld.idx.msk [tilespmem:v4+s1+$0xFFFFEFE0 ss:$0x1], $0xffff;
	vm15 =	vmand vm11, vm9;
	v33 =	vadd.s32 $0x200, v21;
	v49 =	vmul.f32 v42, v20  }
0xe0: {  	v32 =	vadd.s32 $0x201, v30;
	v38 =	vld.idx.msk [tilespmem:v4+s19+$0x5010 ss:$0x1], $0xffff;
	v24 =	vmul.f32 v18, v41;
	v34 =	vmul.f32 v46, v48  }
0xe1: {  	v40 =	vld.idx.msk [tilespmem:v4+s22+$0x0 ss:$0x1], $0xffff;
	v18 =	vmul.f32 v18, v20;
	v37 =	vmul.f32 v49, v48  }
0xe2: {  	v35 =	vmul.f32 v24, v48;
	[tilespmem:v30+s23+$0x0] =	vst.idx.add.f32.msk vm14, v34  }
0xe3: {  	v36 =	vmul.f32 v18, v48;
	[tilespmem:v31+s23+$0x0] =	vst.idx.add.f32.msk vm13, v37  }
0xe4: {  	v47 =	vimm.s32 $0x0;
	[tilespmem:v33+s23+$0x0] =	vst.idx.add.f32.msk vm12, v35  }
0xe5: {  	v23 =	vsel vm1, $0xFFFFFFFF, v47;
	v39 =	vmul.f32 v38, v29;
	[tilespmem:v32+s23+$0x0] =	vst.idx.add.f32.msk vm15, v36  }
0xe6: {  	[tilespmem:$0x1FFD0] =	vst v23;
	v51 =	vmul.f32 v38, v27;
	v53 =	vld.idx.msk [tilespmem:v4+s19+$0x20 ss:$0x1], $0xffff  }
0xe7: {  	s17 =	sadd.s32 $0x30, s4;
	v45 =	vimm.s32 $0x0;
	v52 =	vmul.f32 v38, v26;
	[tilespmem:v11+s29+$0x0] =	vst.idx.add.f32.msk vm7, v39  }
0xe8: {  	v28 =	vsel vm0, $0xFFFFFFFF, v45;
	v61 =	vor.u32 s17, v2;
	v54 =	vmul.f32 v38, v25;
	[tilespmem:v10+s29+$0x0] =	vst.idx.add.f32.msk vm5, v51  }
0xe9: {  	v55 =	vimm.s32 $0x0;
	v62 =	vcvt.s32.f32 v61;
	v23 =	vadd.f32 v59, v5;
	[tilespmem:v13+s29+$0x0] =	vst.idx.add.f32.msk vm4, v52  }
0xea: {  	v19 =	vsel vm4, $0xFFFFFFFF, v55;
	v55 =	vmul.f32 v50, v17;
	v52 =	vmul.f32 v50, v16;
	[tilespmem:v12+s29+$0x0] =	vst.idx.add.f32.msk vm6, v54  }
0xeb: {  	[tilespmem:$0x1FFC0] =	vst v28;
	v63 =	vadd.f32 v62, v57;
	v57 =	vtrunc.f32 v23;
	v39 =	vld.idx.msk [tilespmem:v4+s19+$0x6010 ss:$0x1], $0xffff;
	v56 =	vmul.f32 v34, v53  }
0xec: {  	v38 =	vcvt.f32.s32 v57;
	[tilespmem:v6+s30+$0x0] =	vst.idx.add.f32.msk vm3, v52;
	v58 =	vmul.f32 v37, v53  }
0xed: {  	v60 =	vmul.f32 v35, v53;
	[tilespmem:v30+s7+$0x0] =	vst.idx.add.f32.msk vm14, v56;
	v56 =	vtrunc.f32 v63  }
0xee: {  	v20 =	vmul.f32 v36, v53;
	[tilespmem:v31+s7+$0x0] =	vst.idx.add.f32.msk vm13, v58;
	v28 =	vcvt.f32.s32 v56  }
0xef: {  	v40 =	vmul.f32 $1.442695020e+00, v40;
	v44 =	vcvt.s32.f32 v38;
	[tilespmem:v33+s7+$0x0] =	vst.idx.add.f32.msk vm12, v60  }
0xf0: {  	v53 =	vmul.f32 v50, v14;
	[tilespmem:v32+s7+$0x0] =	vst.idx.add.f32.msk vm15, v20;
	v42 =	vcvt.s32.f32 v28  }
0xf1: {  	v21 =	vmul.f32 v50, v15;
	(erf) = vpow2.f32 v40;
	v62 =	vadd.s32 v38, v0;
	v54 =	vld.idx.msk [tilespmem:v4+s19+$0x1020 ss:$0x1], $0xffff  }
0xf2: {  	v48 =	vadd.f32 $-1.000000000e+00, v44;
	[tilespmem:v8+s30+$0x0] =	vst.idx.add.f32.msk vm2, v53;
	v47 =	vadd.f32 $-1.000000000e+00, v42;
	vm8 =	vlt.f32 v63, v42  }
0xf3: {  	v41 =	vmul.f32 v39, v29;
	[tilespmem:v9+s30+$0x0] =	vst.idx.add.f32.msk vm0, v55;
	v55 =	vmul.f32 v39, v27;
	v58 =	vsel vm8, $0xFFFFFFFF, v3  }
0xf4: {  	[tilespmem:$0x1FFE0] =	vst v19;
	v42 =	vsel vm8, v47, v42;
	vm8 =	vlt.f32 v23, v44;
	v19 =	vadd.s32 v28, v58  }
0xf5: {  	v59 =	vsel vm8, $0xFFFFFFFF, v3;
	v44 =	vsel vm8, v48, v44;
	v60 =	vsub.f32 v63, v42  }
0xf6: {  	vm9 =	vlt.u32 v19, $0x200;
	v51 =	vadd.s32 $0x1, v19;
	v43 =	vmul.f32 v54, v34  }
0xf7: {  	v45 =	vmul.f32 v54, v37;
	v46 =	vmul.f32 v54, v35;
	v61 =	vsub.f32 v23, v44  }
0xf8: {  	[tilespmem:v7+s30+$0x0] =	vst.idx.add.f32.msk vm1, v21;
	v63 =	vmul.f32 v54, v36;
	v18 =	vadd.s32 v59, v62;
	vm1 =	vlt.u32 v51, $0x200  }
0xf9: {  	[tilespmem:v11+s30+$0x0] =	vst.idx.add.f32.msk vm7, v41;
	v48 =	vsub.f32 $1.000000000e+00, v60;
	v50 =	vadd.s32 $0x1, v18;
	vm8 =	vlt.u32 v18, $0x10  }
0xfa: {  	v38 =	vld.idx.msk [tilespmem:v4+s19+$0x7000 ss:$0x1], $0xffff;
	v18 =	vshll.u32 v18, $0x9;
	v49 =	vsub.f32 $1.000000000e+00, v61;
	vm11 =	vmand vm9, vm8  }
0xfb: {  	[tilespmem:v10+s30+$0x0] =	vst.idx.add.f32.msk vm5, v55;
	vm10 =	vmand vm1, vm8;
	v23 =	vadd.s32 v19, v18;
	vm0 =	vlt.u32 v50, $0x10  }
0xfc: {  	[tilespmem:v30+s24+$0x0] =	vst.idx.add.f32.msk vm14, v43;
	v19 =	vand.u32 $0x7, v19;
	vm8 =	vmand vm9, vm0;
	v18 =	vand.u32 $0xFFFFFFF8, v23  }
0xfd: {  	[tilespmem:v31+s24+$0x0] =	vst.idx.add.f32.msk vm13, v45;
	v22 =	vadd.s32 $0x1, v23;
	v52 =	vmul.f32 v49, v48;
	v18 =	vor.u32 v19, v18  }
0xfe: {  	v53 =	vpop (erf);
	vm9 =	vmand vm1, vm0;
	[tilespmem:v33+s24+$0x0] =	vst.idx.add.f32.msk vm12, v46;
	v24 =	vmul.f32 v49, v60;
	v18 =	vadd.s32 $0x200, v18  }
0xff: {  	v20 =	vmul.f32 v61, v48;
	v19 =	vadd.s32 $0x201, v23;
	[tilespmem:v32+s24+$0x0] =	vst.idx.add.f32.msk vm15, v63;
	v28 =	vmul.f32 v52, v53  }
0x100: {  	v54 =	vmul.f32 v61, v60;
	v43 =	vld.idx.msk [tilespmem:v4+s19+$0x2020 ss:$0x1], $0xffff;
	v24 =	vmul.f32 v24, v53  }
0x101: {  	v20 =	vmul.f32 v20, v53;
	[tilespmem:v23+s23+$0x0] =	vst.idx.add.f32.msk vm11, v28  }
0x102: {  	v21 =	vmul.f32 v54, v53;
	[tilespmem:v22+s23+$0x0] =	vst.idx.add.f32.msk vm10, v24  }
0x103: {  	[tilespmem:v18+s23+$0x0] =	vst.idx.add.f32.msk vm8, v20  }
0x104: {  	v45 =	vmul.f32 v39, v26;
	[tilespmem:v19+s23+$0x0] =	vst.idx.add.f32.msk vm9, v21  }
0x105: {  	v56 =	vmul.f32 v43, v34;
	v57 =	vld.idx.msk [tilespmem:v4+s19+$0x30 ss:$0x1], $0xffff  }
0x106: {  	[tilespmem:v13+s30+$0x0] =	vst.idx.add.f32.msk vm4, v45;
	v58 =	vmul.f32 v43, v37  }
0x107: {  	v59 =	vmul.f32 v43, v35;
	[tilespmem:v30+s25+$0x0] =	vst.idx.add.f32.msk vm14, v56  }
0x108: {  	v60 =	vmul.f32 v43, v36;
	[tilespmem:v31+s25+$0x0] =	vst.idx.add.f32.msk vm13, v58  }
0x109: {  	[tilespmem:v33+s25+$0x0] =	vst.idx.add.f32.msk vm12, v59  }
0x10a: {  	[tilespmem:v32+s25+$0x0] =	vst.idx.add.f32.msk vm15, v60;
	v61 =	vmul.f32 v28, v57  }
0x10b: {  	v41 =	vld.idx.msk [tilespmem:v4+s19+$0x3020 ss:$0x1], $0xffff;
	v62 =	vmul.f32 v24, v57  }
0x10c: {  	v63 =	vmul.f32 v20, v57;
	[tilespmem:v23+s7+$0x0] =	vst.idx.add.f32.msk vm11, v61  }
0x10d: {  	v42 =	vmul.f32 v21, v57;
	[tilespmem:v22+s7+$0x0] =	vst.idx.add.f32.msk vm10, v62  }
0x10e: {  	[tilespmem:v18+s7+$0x0] =	vst.idx.add.f32.msk vm8, v63  }
0x10f: {  	v39 =	vmul.f32 v39, v25;
	[tilespmem:v19+s7+$0x0] =	vst.idx.add.f32.msk vm9, v42  }
0x110: {  	v46 =	vmul.f32 v41, v34;
	v43 =	vld.idx.msk [tilespmem:v4+s19+$0x1030 ss:$0x1], $0xffff  }
0x111: {  	[tilespmem:v12+s30+$0x0] =	vst.idx.add.f32.msk vm6, v39;
	v47 =	vmul.f32 v41, v37  }
0x112: {  	v48 =	vmul.f32 v41, v35;
	[tilespmem:v30+s26+$0x0] =	vst.idx.add.f32.msk vm14, v46  }
0x113: {  	v49 =	vmul.f32 v41, v36;
	[tilespmem:v31+s26+$0x0] =	vst.idx.add.f32.msk vm13, v47  }
0x114: {  	[tilespmem:v33+s26+$0x0] =	vst.idx.add.f32.msk vm12, v48  }
0x115: {  	[tilespmem:v32+s26+$0x0] =	vst.idx.add.f32.msk vm15, v49;
	v50 =	vmul.f32 v43, v28  }
0x116: {  	v51 =	vld.idx.msk [tilespmem:v4+s19+$0x4020 ss:$0x1], $0xffff;
	v52 =	vmul.f32 v43, v24  }
0x117: {  	v53 =	vmul.f32 v43, v20;
	[tilespmem:v23+s24+$0x0] =	vst.idx.add.f32.msk vm11, v50  }
0x118: {  	[tilespmem:v22+s24+$0x0] =	vst.idx.add.f32.msk vm10, v52  }
0x119: {  	v54 =	vmul.f32 v43, v21;
	[tilespmem:v18+s24+$0x0] =	vst.idx.add.f32.msk vm8, v53  }
0x11a: {  	v53 =	vld.idx.msk [tilespmem:v4+s1+$0xFFFFEFF0 ss:$0x1], $0xffff  }
0x11b: {  	[tilespmem:v19+s24+$0x0] =	vst.idx.add.f32.msk vm9, v54;
	v55 =	vmul.f32 v51, v34  }
0x11c: {  	v56 =	vmul.f32 v51, v37;
	v42 =	vld.idx.msk [tilespmem:v4+s19+$0x2030 ss:$0x1], $0xffff  }
0x11d: {  	[tilespmem:v30+s28+$0x0] =	vst.idx.add.f32.msk vm14, v55  }
0x11e: {  	v57 =	vmul.f32 v51, v35;
	[tilespmem:v31+s28+$0x0] =	vst.idx.add.f32.msk vm13, v56  }
0x11f: {  	v58 =	vmul.f32 v51, v36;
	v56 =	vld.idx.msk [tilespmem:v4+s1+$0xFFFFFFF0 ss:$0x1], $0xffff  }
0x120: {  	[tilespmem:v33+s28+$0x0] =	vst.idx.add.f32.msk vm12, v57  }
0x121: {  	[tilespmem:v32+s28+$0x0] =	vst.idx.add.f32.msk vm15, v58;
	v59 =	vmul.f32 v42, v28  }
0x122: {  	v40 =	vld.idx.msk [tilespmem:v4+s19+$0x5020 ss:$0x1], $0xffff;
	v60 =	vmul.f32 v42, v24  }
0x123: {  	v61 =	vmul.f32 v42, v20;
	[tilespmem:v23+s25+$0x0] =	vst.idx.add.f32.msk vm11, v59  }
0x124: {  	v62 =	vmul.f32 v42, v21;
	[tilespmem:v22+s25+$0x0] =	vst.idx.add.f32.msk vm10, v60  }
0x125: {  	[tilespmem:v18+s25+$0x0] =	vst.idx.add.f32.msk vm8, v61  }
0x126: {  	[tilespmem:v19+s25+$0x0] =	vst.idx.add.f32.msk vm9, v62  }
0x127: {  	v63 =	vmul.f32 v40, v34;
	v41 =	vld.idx.msk [tilespmem:v4+s19+$0x3030 ss:$0x1], $0xffff  }
0x128: {  	v42 =	vld.idx.msk [tilespmem:v4+s19+$0x7010 ss:$0x1], $0xffff;
	v45 =	vmul.f32 v40, v37  }
0x129: {  	v46 =	vmul.f32 v40, v35;
	[tilespmem:v30+s29+$0x0] =	vst.idx.add.f32.msk vm14, v63  }
0x12a: {  	v40 =	vmul.f32 v40, v36;
	[tilespmem:v31+s29+$0x0] =	vst.idx.add.f32.msk vm13, v45  }
0x12b: {  	[tilespmem:v33+s29+$0x0] =	vst.idx.add.f32.msk vm12, v46  }
0x12c: {  	[tilespmem:v32+s29+$0x0] =	vst.idx.add.f32.msk vm15, v40;
	v47 =	vmul.f32 v41, v28  }
0x12d: {  	v40 =	vld.idx.msk [tilespmem:v4+s19+$0x6020 ss:$0x1], $0xffff;
	v48 =	vmul.f32 v41, v24  }
0x12e: {  	v49 =	vmul.f32 v41, v20;
	[tilespmem:v23+s26+$0x0] =	vst.idx.add.f32.msk vm11, v47  }
0x12f: {  	v41 =	vmul.f32 v41, v21;
	[tilespmem:v22+s26+$0x0] =	vst.idx.add.f32.msk vm10, v48  }
0x130: {  	[tilespmem:v18+s26+$0x0] =	vst.idx.add.f32.msk vm8, v49  }
0x131: {  	[tilespmem:v19+s26+$0x0] =	vst.idx.add.f32.msk vm9, v41  }
0x132: {  	v51 =	vmul.f32 v40, v34;
	v41 =	vld.idx.msk [tilespmem:v4+s19+$0x4030 ss:$0x1], $0xffff  }
0x133: {  	v61 =	vld.idx.msk [tilespmem:v4+s22+$0x10 ss:$0x1], $0xffff;
	v52 =	vmul.f32 v40, v37  }
0x134: {  	v16 =	vmul.f32 v38, v16;
	v54 =	vmul.f32 v40, v35;
	[tilespmem:v30+s30+$0x0] =	vst.idx.add.f32.msk vm14, v51  }
0x135: {  	s17 =	sadd.s32 $0x40, s4;
	v14 =	vmul.f32 v38, v14;
	v40 =	vmul.f32 v40, v36;
	[tilespmem:v31+s30+$0x0] =	vst.idx.add.f32.msk vm13, v52  }
0x136: {  	v17 =	vmul.f32 v38, v17;
	v55 =	vor.u32 s17, v2;
	v45 =	vadd.f32 v56, v5;
	[tilespmem:v33+s30+$0x0] =	vst.idx.add.f32.msk vm12, v54  }
0x137: {  	v43 =	vcvt.s32.f32 v55;
	[tilespmem:v32+s30+$0x0] =	vst.idx.add.f32.msk vm15, v40;
	v57 =	vmul.f32 v41, v28  }
0x138: {  	v51 =	vtrunc.f32 v45;
	v58 =	vld.idx.msk [tilespmem:v4+s19+$0x7020 ss:$0x1], $0xffff;
	v59 =	vmul.f32 v41, v24  }
0x139: {  	v15 =	vmul.f32 v38, v15;
	v50 =	vimm.s32 $0x0;
	v52 =	vcvt.f32.s32 v51;
	[tilespmem:v23+s28+$0x0] =	vst.idx.add.f32.msk vm11, v57  }
0x13a: {  	v39 =	vsel vm8, $0xFFFFFFFF, v50;
	v40 =	vadd.f32 v43, v53;
	v60 =	vmul.f32 v41, v20;
	[tilespmem:v22+s28+$0x0] =	vst.idx.add.f32.msk vm10, v59  }
0x13b: {  	[tilespmem:$0x1FFF0] =	vst v39;
	s17 =	sadd.s32 $0x50, s4;
	v46 =	vmul.f32 $1.442695020e+00, v61;
	v56 =	vcvt.s32.f32 v52;
	v59 =	vld.idx.msk [tilespmem:v4+s1+$0xFFFFF000 ss:$0x1], $0xffff  }
0x13c: {  	v61 =	vor.u32 s17, v2;
	v39 =	vadd.s32 v52, v0;
	v43 =	vtrunc.f32 v40;
	[tilespmem:v18+s28+$0x0] =	vst.idx.add.f32.msk vm8, v60  }
0x13d: {  	vm8 =	vlt.f32 v45, v56;
	v34 =	vmul.f32 v58, v34;
	v37 =	vmul.f32 v58, v37  }
0x13e: {  	[tilespmem:v6+s31+$0x0] =	vst.idx.add.f32.msk vm3, v16;
	v35 =	vmul.f32 v58, v35;
	v36 =	vmul.f32 v58, v36;
	v58 =	vsel vm8, $0xFFFFFFFF, v3  }
0x13f: {  	v51 =	vld.idx.msk [tilespmem:v4+s1+$0x0 ss:$0x1], $0xffff;
	v43 =	vcvt.f32.s32 v43;
	v38 =	vadd.s32 v58, v39;
	v39 =	vcvt.s32.f32 v61  }
0x140: {  	[tilespmem:v8+s31+$0x0] =	vst.idx.add.f32.msk vm2, v14;
	v29 =	vmul.f32 v42, v29  }
0x141: {  	v27 =	vmul.f32 v42, v27;
	v63 =	vcvt.s32.f32 v43;
	v14 =	vadd.f32 v39, v59;
	v39 =	vld [tilespmem:$0x1FFC0]  }
0x142: {  	v26 =	vmul.f32 v42, v26;
	v25 =	vmul.f32 v42, v25  }
0x143: {  	v62 =	vmul.f32 v41, v21;
	v57 =	vadd.f32 $-1.000000000e+00, v56;
	vm4 =	vlt.f32 v40, v63  }
0x144: {  	v52 =	vadd.f32 v51, v5;
	v54 =	vadd.f32 $-1.000000000e+00, v63;
	v55 =	vsel vm4, $0xFFFFFFFF, v3  }
0x145: {  	(erf) = vpow2.f32 v46;
	[tilespmem:v19+s28+$0x0] =	vst.idx.add.f32.msk vm9, v62;
	v44 =	vsel vm8, v57, v56;
	v43 =	vadd.s32 v43, v55  }
0x146: {  	v57 =	vld.idx.msk [tilespmem:v4+s22+$0x20 ss:$0x1], $0xffff;
	v41 =	vsel vm4, v54, v63;
	v6 =	vadd.s32 $0x1, v43;
	vm4 =	vnez.u8 v39  }
0x147: {  	v56 =	vtrunc.f32 v52;
	v44 =	vsub.f32 v45, v44;
	vm1 =	vlt.u32 v6, $0x200;
	v6 =	vld [tilespmem:$0x1FFD0]  }
0x148: {  	v53 =	vld.idx.msk [tilespmem:v4+s19+$0x5030 ss:$0x1], $0xffff;
	v58 =	vcvt.f32.s32 v56;
	v50 =	vadd.s32 $0x1, v38;
	vm8 =	vlt.u32 v38, $0x10  }
0x149: {  	[tilespmem:v11+s31+$0x0] =	vst.idx.add.f32.msk vm7, v29;
	v62 =	vsub.f32 $1.000000000e+00, v44;
	vm3 =	vlt.u32 v50, $0x10;
	v55 =	vshll.u32 v38, $0x9  }
0x14a: {  	[tilespmem:v10+s31+$0x0] =	vst.idx.add.f32.msk vm5, v27;
	v40 =	vsub.f32 v40, v41;
	vm0 =	vlt.u32 v43, $0x200;
	v10 =	vadd.s32 v43, v55  }
0x14b: {  	v59 =	vld [tilespmem:$0x1FFE0];
	vm2 =	vmand vm0, vm8;
	vm0 =	vmand vm0, vm3;
	v54 =	vtrunc.f32 v14  }
0x14c: {  	v11 =	vadd.s32 $0x1, v10;
	v38 =	vmul.f32 $1.442695020e+00, v57;
	[tilespmem:v9+s31+$0x0] =	vst.idx.add.f32.msk vm4, v17;
	vm4 =	vnez.u8 v6  }
0x14d: {  	v61 =	vand.u32 $0xFFFFFFF8, v10;
	v46 =	vmul.f32 v53, v28;
	v48 =	vmul.f32 v53, v24  }
0x14e: {  	[tilespmem:v30+s31+$0x0] =	vst.idx.add.f32.msk vm14, v34;
	v49 =	vmul.f32 v53, v20;
	v42 =	vmul.f32 v53, v21;
	v60 =	vsub.f32 $1.000000000e+00, v40  }
0x14f: {  	v47 =	vmul.f32 v62, v40;
	vm8 =	vmand vm1, vm8;
	v16 =	vcvt.f32.s32 v54;
	[tilespmem:v23+s29+$0x0] =	vst.idx.add.f32.msk vm11, v46  }
0x150: {  	vm3 =	vmand vm1, vm3;
	v53 =	vmul.f32 v44, v40;
	v63 =	vmul.f32 v62, v60;
	[tilespmem:v22+s29+$0x0] =	vst.idx.add.f32.msk vm10, v48  }
0x151: {  	v41 =	vpop (erf);
	v50 =	vmul.f32 v44, v60;
	vm5 =	vnez.u8 v59;
	v60 =	vcvt.s32.f32 v16;
	v48 =	vld [tilespmem:$0x1FFF0]  }
0x152: {  	v62 =	vand.u32 $0x7, v43;
	[tilespmem:v7+s31+$0x0] =	vst.idx.add.f32.msk vm4, v15;
	v7 =	vmul.f32 v63, v41;
	v63 =	vcvt.s32.f32 v58  }
0x153: {  	v43 =	vadd.s32 v58, v0;
	v8 =	vmul.f32 v50, v41;
	vm7 =	vlt.f32 v14, v60  }
0x154: {  	[tilespmem:v31+s31+$0x0] =	vst.idx.add.f32.msk vm13, v37;
	v34 =	vadd.f32 $-1.000000000e+00, v60;
	v39 =	vsel vm7, $0xFFFFFFFF, v3;
	v37 =	vadd.f32 $-1.000000000e+00, v63  }
0x155: {  	v44 =	vadd.s32 v16, v39;
	v6 =	vmul.f32 v47, v41;
	vm13 =	vlt.f32 v52, v63  }
0x156: {  	v40 =	vsel vm13, $0xFFFFFFFF, v3;
	v27 =	vsel vm13, v37, v63;
	vm13 =	vnez.u8 v48  }
0x157: {  	(erf) = vpow2.f32 v38;
	[tilespmem:v13+s31+$0x0] =	vst.idx.add.f32.msk vm5, v26;
	v9 =	vmul.f32 v53, v41;
	v13 =	vsel vm7, v34, v60  }
0x158: {  	v51 =	vand.u32 $0x7, v44;
	[tilespmem:v12+s31+$0x0] =	vst.idx.add.f32.msk vm6, v25;
	v25 =	vor.u32 v62, v61;
	v41 =	vsub.f32 v14, v13  }
0x159: {  	[tilespmem:v33+s31+$0x0] =	vst.idx.add.f32.msk vm12, v35;
	vm5 =	vlt.u32 v44, $0x200;
	v12 =	vadd.s32 $0x201, v10;
	v13 =	vadd.s32 $0x200, v25  }
0x15a: {  	[tilespmem:v32+s31+$0x0] =	vst.idx.add.f32.msk vm15, v36;
	v45 =	vsub.f32 $1.000000000e+00, v41;
	v14 =	vadd.s32 v40, v43;
	v27 =	vsub.f32 v52, v27  }
0x15b: {  	[tilespmem:v10+s23+$0x0] =	vst.idx.add.f32.msk vm2, v7;
	v47 =	vadd.s32 $0x1, v14;
	vm1 =	vlt.u32 v14, $0x10;
	v14 =	vshll.u32 v14, $0x9  }
0x15c: {  	vm7 =	vlt.u32 v47, $0x10;
	vm14 =	vmand vm5, vm1;
	[tilespmem:v18+s29+$0x0] =	vst.idx.add.f32.msk vm13, v49;
	v49 =	vadd.s32 $0x1, v44  }
0x15d: {  	[tilespmem:v11+s23+$0x0] =	vst.idx.add.f32.msk vm8, v6;
	v14 =	vadd.s32 v44, v14;
	v46 =	vsub.f32 $1.000000000e+00, v27;
	vm12 =	vlt.u32 v49, $0x200  }
0x15e: {  	[tilespmem:v13+s23+$0x0] =	vst.idx.add.f32.msk vm0, v8;
	vm5 =	vmand vm5, vm7;
	v50 =	vand.u32 $0xFFFFFFF8, v14;
	vm15 =	vmand vm12, vm1  }
0x15f: {  	[tilespmem:v12+s23+$0x0] =	vst.idx.add.f32.msk vm3, v9;
	v15 =	vadd.s32 $0x1, v14;
	v25 =	vor.u32 v51, v50;
	v52 =	vmul.f32 v46, v45  }
0x160: {  	v53 =	vpop (erf);
	v56 =	vld.idx.msk [tilespmem:v4+s19+$0x40 ss:$0x1], $0xffff;
	v54 =	vmul.f32 v46, v41;
	v17 =	vadd.s32 $0x200, v25;
	vm7 =	vmand vm12, vm7  }
0x161: {  	v55 =	vmul.f32 v27, v45;
	v16 =	vadd.s32 $0x201, v14;
	[tilespmem:v19+s29+$0x0] =	vst.idx.add.f32.msk vm9, v42;
	v25 =	vmul.f32 v52, v53  }
0x162: {  	v30 =	vmul.f32 v27, v41;
	v26 =	vmul.f32 v54, v53;
	v31 =	vld.idx.msk [tilespmem:v4+s19+$0x6030 ss:$0x1], $0xffff  }
0x163: {  	v27 =	vmul.f32 v55, v53;
	[tilespmem:v14+s23+$0x0] =	vst.idx.add.f32.msk vm14, v25  }
0x164: {  	v29 =	vmul.f32 v30, v53;
	[tilespmem:v15+s23+$0x0] =	vst.idx.add.f32.msk vm15, v26  }
0x165: {  	[tilespmem:v17+s23+$0x0] =	vst.idx.add.f32.msk vm5, v27  }
0x166: {  	v58 =	vmul.f32 v7, v56;
	[tilespmem:v16+s23+$0x0] =	vst.idx.add.f32.msk vm7, v29  }
0x167: {  	v60 =	vmul.f32 v6, v56;
	v59 =	vld.idx.msk [tilespmem:v4+s19+$0x50 ss:$0x1], $0xffff  }
0x168: {  	v61 =	vmul.f32 v8, v56;
	[tilespmem:v10+s7+$0x0] =	vst.idx.add.f32.msk vm2, v58  }
0x169: {  	v62 =	vmul.f32 v9, v56;
	[tilespmem:v11+s7+$0x0] =	vst.idx.add.f32.msk vm8, v60  }
0x16a: {  	[tilespmem:v13+s7+$0x0] =	vst.idx.add.f32.msk vm0, v61  }
0x16b: {  	v57 =	vmul.f32 v31, v28;
	[tilespmem:v12+s7+$0x0] =	vst.idx.add.f32.msk vm3, v62  }
0x16c: {  	v32 =	vld.idx.msk [tilespmem:v4+s19+$0x1040 ss:$0x1], $0xffff;
	v63 =	vmul.f32 v25, v59  }
0x16d: {  	[tilespmem:v23+s30+$0x0] =	vst.idx.add.f32.msk vm11, v57;
	v36 =	vmul.f32 v26, v59  }
0x16e: {  	v37 =	vmul.f32 v27, v59;
	[tilespmem:v14+s7+$0x0] =	vst.idx.add.f32.msk vm14, v63  }
0x16f: {  	v38 =	vmul.f32 v29, v59;
	[tilespmem:v15+s7+$0x0] =	vst.idx.add.f32.msk vm15, v36  }
0x170: {  	[tilespmem:v17+s7+$0x0] =	vst.idx.add.f32.msk vm5, v37  }
0x171: {  	v39 =	vmul.f32 v31, v24;
	[tilespmem:v16+s7+$0x0] =	vst.idx.add.f32.msk vm7, v38  }
0x172: {  	v40 =	vmul.f32 v32, v7;
	v41 =	vld.idx.msk [tilespmem:v4+s19+$0x1050 ss:$0x1], $0xffff  }
0x173: {  	[tilespmem:v22+s30+$0x0] =	vst.idx.add.f32.msk vm10, v39;
	v42 =	vmul.f32 v32, v6  }
0x174: {  	v43 =	vmul.f32 v32, v8;
	[tilespmem:v10+s24+$0x0] =	vst.idx.add.f32.msk vm2, v40  }
0x175: {  	v44 =	vmul.f32 v32, v9;
	[tilespmem:v11+s24+$0x0] =	vst.idx.add.f32.msk vm8, v42  }
0x176: {  	[tilespmem:v13+s24+$0x0] =	vst.idx.add.f32.msk vm0, v43  }
0x177: {  	[tilespmem:v12+s24+$0x0] =	vst.idx.add.f32.msk vm3, v44;
	v45 =	vmul.f32 v41, v25  }
0x178: {  	v46 =	vld.idx.msk [tilespmem:v4+s19+$0x2040 ss:$0x1], $0xffff;
	v47 =	vmul.f32 v41, v26  }
0x179: {  	v48 =	vmul.f32 v41, v27;
	[tilespmem:v14+s24+$0x0] =	vst.idx.add.f32.msk vm14, v45  }
0x17a: {  	v49 =	vmul.f32 v41, v29;
	[tilespmem:v15+s24+$0x0] =	vst.idx.add.f32.msk vm15, v47  }
0x17b: {  	[tilespmem:v17+s24+$0x0] =	vst.idx.add.f32.msk vm5, v48  }
0x17c: {  	v50 =	vmul.f32 v31, v20;
	[tilespmem:v16+s24+$0x0] =	vst.idx.add.f32.msk vm7, v49  }
0x17d: {  	v51 =	vmul.f32 v46, v7;
	v52 =	vld.idx.msk [tilespmem:v4+s19+$0x2050 ss:$0x1], $0xffff  }
0x17e: {  	[tilespmem:v18+s30+$0x0] =	vst.idx.add.f32.msk vm13, v50;
	v53 =	vmul.f32 v46, v6  }
0x17f: {  	v54 =	vmul.f32 v46, v8;
	[tilespmem:v10+s25+$0x0] =	vst.idx.add.f32.msk vm2, v51  }
0x180: {  	v55 =	vmul.f32 v46, v9;
	[tilespmem:v11+s25+$0x0] =	vst.idx.add.f32.msk vm8, v53  }
0x181: {  	[tilespmem:v13+s25+$0x0] =	vst.idx.add.f32.msk vm0, v54  }
0x182: {  	[tilespmem:v12+s25+$0x0] =	vst.idx.add.f32.msk vm3, v55;
	v56 =	vmul.f32 v52, v25  }
0x183: {  	v57 =	vld.idx.msk [tilespmem:v4+s19+$0x3040 ss:$0x1], $0xffff;
	v58 =	vmul.f32 v52, v26  }
0x184: {  	v59 =	vmul.f32 v52, v27;
	[tilespmem:v14+s25+$0x0] =	vst.idx.add.f32.msk vm14, v56  }
0x185: {  	v60 =	vmul.f32 v52, v29;
	[tilespmem:v15+s25+$0x0] =	vst.idx.add.f32.msk vm15, v58  }
0x186: {  	[tilespmem:v17+s25+$0x0] =	vst.idx.add.f32.msk vm5, v59  }
0x187: {  	v61 =	vmul.f32 v31, v21;
	[tilespmem:v16+s25+$0x0] =	vst.idx.add.f32.msk vm7, v60  }
0x188: {  	v62 =	vmul.f32 v57, v7;
	v33 =	vld.idx.msk [tilespmem:v4+s19+$0x3050 ss:$0x1], $0xffff  }
0x189: {  	[tilespmem:v19+s30+$0x0] =	vst.idx.add.f32.msk vm9, v61;
	v63 =	vmul.f32 v57, v6  }
0x18a: {  	v34 =	vmul.f32 v57, v8;
	[tilespmem:v10+s26+$0x0] =	vst.idx.add.f32.msk vm2, v62  }
0x18b: {  	v35 =	vmul.f32 v57, v9;
	[tilespmem:v11+s26+$0x0] =	vst.idx.add.f32.msk vm8, v63  }
0x18c: {  	[tilespmem:v13+s26+$0x0] =	vst.idx.add.f32.msk vm0, v34  }
0x18d: {  	[tilespmem:v12+s26+$0x0] =	vst.idx.add.f32.msk vm3, v35;
	v36 =	vmul.f32 v33, v25  }
0x18e: {  	v31 =	vld.idx.msk [tilespmem:v4+s19+$0x4040 ss:$0x1], $0xffff;
	v37 =	vmul.f32 v33, v26  }
0x18f: {  	v38 =	vmul.f32 v33, v27;
	[tilespmem:v14+s26+$0x0] =	vst.idx.add.f32.msk vm14, v36  }
0x190: {  	v39 =	vmul.f32 v33, v29;
	[tilespmem:v15+s26+$0x0] =	vst.idx.add.f32.msk vm15, v37  }
0x191: {  	[tilespmem:v17+s26+$0x0] =	vst.idx.add.f32.msk vm5, v38  }
0x192: {  	[tilespmem:v16+s26+$0x0] =	vst.idx.add.f32.msk vm7, v39  }
0x193: {  	v40 =	vmul.f32 v31, v7;
	v32 =	vld.idx.msk [tilespmem:v4+s19+$0x4050 ss:$0x1], $0xffff  }
0x194: {  	v41 =	vld.idx.msk [tilespmem:v4+s19+$0x7030 ss:$0x1], $0xffff;
	v42 =	vmul.f32 v31, v6  }
0x195: {  	v43 =	vmul.f32 v31, v8;
	[tilespmem:v10+s28+$0x0] =	vst.idx.add.f32.msk vm2, v40  }
0x196: {  	v31 =	vmul.f32 v31, v9;
	[tilespmem:v11+s28+$0x0] =	vst.idx.add.f32.msk vm8, v42  }
0x197: {  	[tilespmem:v13+s28+$0x0] =	vst.idx.add.f32.msk vm0, v43  }
0x198: {  	[tilespmem:v12+s28+$0x0] =	vst.idx.add.f32.msk vm3, v31;
	v44 =	vmul.f32 v32, v25  }
0x199: {  	v31 =	vld.idx.msk [tilespmem:v4+s19+$0x5040 ss:$0x1], $0xffff;
	v45 =	vmul.f32 v32, v26  }
0x19a: {  	v46 =	vmul.f32 v32, v27;
	[tilespmem:v14+s28+$0x0] =	vst.idx.add.f32.msk vm14, v44  }
0x19b: {  	v32 =	vmul.f32 v32, v29;
	[tilespmem:v15+s28+$0x0] =	vst.idx.add.f32.msk vm15, v45  }
0x19c: {  	[tilespmem:v17+s28+$0x0] =	vst.idx.add.f32.msk vm5, v46  }
0x19d: {  	v28 =	vmul.f32 v41, v28;
	[tilespmem:v16+s28+$0x0] =	vst.idx.add.f32.msk vm7, v32  }
0x19e: {  	v47 =	vmul.f32 v31, v7;
	v32 =	vld.idx.msk [tilespmem:v4+s19+$0x5050 ss:$0x1], $0xffff  }
0x19f: {  	[tilespmem:v23+s31+$0x0] =	vst.idx.add.f32.msk vm11, v28;
	v48 =	vmul.f32 v31, v6  }
0x1a0: {  	v49 =	vmul.f32 v31, v8;
	[tilespmem:v10+s29+$0x0] =	vst.idx.add.f32.msk vm2, v47  }
0x1a1: {  	v50 =	vmul.f32 v31, v9;
	[tilespmem:v11+s29+$0x0] =	vst.idx.add.f32.msk vm8, v48  }
0x1a2: {  	[tilespmem:v13+s29+$0x0] =	vst.idx.add.f32.msk vm0, v49  }
0x1a3: {  	[tilespmem:v12+s29+$0x0] =	vst.idx.add.f32.msk vm3, v50;
	v51 =	vmul.f32 v32, v25  }
0x1a4: {  	v28 =	vld.idx.msk [tilespmem:v4+s19+$0x6040 ss:$0x1], $0xffff;
	v52 =	vmul.f32 v32, v26  }
0x1a5: {  	v53 =	vmul.f32 v32, v27;
	[tilespmem:v14+s29+$0x0] =	vst.idx.add.f32.msk vm14, v51  }
0x1a6: {  	v54 =	vmul.f32 v32, v29;
	[tilespmem:v15+s29+$0x0] =	vst.idx.add.f32.msk vm15, v52  }
0x1a7: {  	[tilespmem:v17+s29+$0x0] =	vst.idx.add.f32.msk vm5, v53  }
0x1a8: {  	v55 =	vmul.f32 v41, v24;
	[tilespmem:v16+s29+$0x0] =	vst.idx.add.f32.msk vm7, v54  }
0x1a9: {  	v56 =	vmul.f32 v28, v7;
	v30 =	vld.idx.msk [tilespmem:v4+s19+$0x6050 ss:$0x1], $0xffff  }
0x1aa: {  	[tilespmem:v22+s31+$0x0] =	vst.idx.add.f32.msk vm10, v55;
	v57 =	vmul.f32 v28, v6  }
0x1ab: {  	v58 =	vmul.f32 v28, v8;
	[tilespmem:v10+s30+$0x0] =	vst.idx.add.f32.msk vm2, v56  }
0x1ac: {  	v59 =	vmul.f32 v28, v9;
	[tilespmem:v11+s30+$0x0] =	vst.idx.add.f32.msk vm8, v57  }
0x1ad: {  	[tilespmem:v13+s30+$0x0] =	vst.idx.add.f32.msk vm0, v58  }
0x1ae: {  	[tilespmem:v12+s30+$0x0] =	vst.idx.add.f32.msk vm3, v59;
	v60 =	vmul.f32 v30, v25  }
0x1af: {  	v23 =	vld.idx.msk [tilespmem:v4+s19+$0x7040 ss:$0x1], $0xffff;
	v61 =	vmul.f32 v30, v26  }
0x1b0: {  	v62 =	vmul.f32 v30, v27;
	[tilespmem:v14+s30+$0x0] =	vst.idx.add.f32.msk vm14, v60  }
0x1b1: {  	v63 =	vmul.f32 v30, v29;
	[tilespmem:v15+s30+$0x0] =	vst.idx.add.f32.msk vm15, v61  }
0x1b2: {  	[tilespmem:v17+s30+$0x0] =	vst.idx.add.f32.msk vm5, v62  }
0x1b3: {  	v20 =	vmul.f32 v41, v20;
	[tilespmem:v16+s30+$0x0] =	vst.idx.add.f32.msk vm7, v63  }
0x1b4: {  	v21 =	vmul.f32 v41, v21;
	v22 =	vld.idx.msk [tilespmem:v4+s19+$0x7050 ss:$0x1], $0xffff  }
0x1b5: {  	[tilespmem:v18+s31+$0x0] =	vst.idx.add.f32.msk vm13, v20;
	v7 =	vmul.f32 v23, v7  }
0x1b6: {  	[tilespmem:v19+s31+$0x0] =	vst.idx.add.f32.msk vm9, v21;
	v6 =	vmul.f32 v23, v6  }
0x1b7: {  	[tilespmem:v10+s31+$0x0] =	vst.idx.add.f32.msk vm2, v7;
	v7 =	vmul.f32 v23, v8  }
0x1b8: {  	s8 =	sadd.s32 $0x6, s8;
	[tilespmem:v11+s31+$0x0] =	vst.idx.add.f32.msk vm8, v6;
	v6 =	vmul.f32 v23, v9  }
0x1b9: {  	p1 =	slt.u32 s8, $0x18;
	[tilespmem:v13+s31+$0x0] =	vst.idx.add.f32.msk vm0, v7;
	v7 =	vmul.f32 v22, v25  }
.Ltmp8:
0x1ba: {  	[tilespmem:v12+s31+$0x0] =	vst.idx.add.f32.msk vm3, v6;
	v6 =	vmul.f32 v22, v26;
	(pc) =	sbr.rel @p1 .LBB2_11-.Ltmp8, $4  }
0x1bb: {  	[tilespmem:v14+s31+$0x0] =	vst.idx.add.f32.msk vm14, v7;
	v7 =	vmul.f32 v22, v27  }
0x1bc: {  	[tilespmem:v15+s31+$0x0] =	vst.idx.add.f32.msk vm15, v6;
	v6 =	vmul.f32 v22, v29  }
0x1bd: {  	s4 =	sadd.s32 $0x60, s4;
	s17 =	simm.s32 $0x1E0;
	[tilespmem:v17+s31+$0x0] =	vst.idx.add.f32.msk vm5, v7  }
0x1be: {  	s1 =	sadd.s32 $0x60, s1;
	s22 =	sadd.s32 $0x60, s22;
	s19 =	sadd.s32 $0x60, s19;
	[tilespmem:v16+s31+$0x0] =	vst.idx.add.f32.msk vm7, v6  }
.LBB2_12:
0x1bf: {  	s1 =	sshra.s32 s7, $0x2  }
0x1c0: {  	s4 =	sadd.s32 s1, s0  }
0x1c1: {  	v6 =	vld [tilespmem:s4+$0xFFFFF000]  }
0x1c2: {  	v7 =	vld [tilespmem:s4+$0x0]  }
0x1c3: {  	v8 =	vor.u32 s17, v2  }
0x1c4: {  	v8 =	vcvt.s32.f32 v8  }
0x1c5: {  	s22 =	sadd.s32 s1, s14  }
0x1c6: {  	v10 =	vld [tilespmem:s22+$0x0];
	v6 =	vadd.f32 v8, v6  }
0x1c7: {  	v7 =	vadd.f32 v7, v5  }
0x1c8: {  	v8 =	vtrunc.f32 v6  }
0x1c9: {  	v9 =	vtrunc.f32 v7;
	v8 =	vcvt.f32.s32 v8  }
0x1ca: {  	v9 =	vcvt.f32.s32 v9  }
0x1cb: {  	v10 =	vmul.f32 $1.442695020e+00, v10;
	v11 =	vcvt.s32.f32 v8  }
0x1cc: {  	v12 =	vcvt.s32.f32 v9  }
0x1cd: {  	(erf) = vpow2.f32 v10;
	v13 =	vadd.f32 $-1.000000000e+00, v11  }
0x1ce: {  	vm0 =	vlt.f32 v6, v11;
	v14 =	vadd.f32 $-1.000000000e+00, v12;
	vm14 =	vlt.f32 v7, v12  }
0x1cf: {  	v9 =	vadd.s32 v9, v0;
	v15 =	vsel vm0, $0xFFFFFFFF, v3;
	v32 =	vsel vm14, $0xFFFFFFFF, v3  }
0x1d0: {  	v11 =	vsel vm0, v13, v11;
	v12 =	vsel vm14, v14, v12;
	v8 =	vadd.s32 v8, v15  }
0x1d1: {  	v9 =	vadd.s32 v32, v9;
	v6 =	vsub.f32 v6, v11;
	v7 =	vsub.f32 v7, v12  }
0x1d2: {  	v35 =	vadd.s32 $0x1, v9;
	vm15 =	vlt.u32 v9, $0x10;
	v36 =	vadd.s32 $0x1, v8  }
0x1d3: {  	vm1 =	vlt.u32 v8, $0x200;
	v9 =	vshll.u32 v9, $0x9;
	vm3 =	vlt.u32 v35, $0x10  }
0x1d4: {  	vm4 =	vlt.u32 v36, $0x200;
	vm2 =	vmand vm1, vm15;
	v9 =	vadd.s32 v8, v9  }
0x1d5: {  	v8 =	vand.u32 $0x7, v8;
	v33 =	vsub.f32 $1.000000000e+00, v6;
	v34 =	vsub.f32 $1.000000000e+00, v7  }
0x1d6: {  	vm0 =	vmand vm4, vm15;
	vm1 =	vmand vm1, vm3;
	v37 =	vand.u32 $0xFFFFFFF8, v9  }
0x1d7: {  	v39 =	vadd.s32 $0x1, v9;
	v8 =	vor.u32 v8, v37;
	v38 =	vmul.f32 v34, v33  }
0x1d8: {  	v40 =	vpop (erf);
	vm3 =	vmand vm4, vm3;
	v11 =	vmul.f32 v34, v6;
	v8 =	vadd.s32 $0x200, v8  }
0x1d9: {  	v41 =	vadd.s32 $0x201, v9;
	v10 =	vmul.f32 v7, v33;
	v13 =	vmul.f32 v38, v40  }
0x1da: {  	v6 =	vmul.f32 v7, v6;
	v11 =	vmul.f32 v11, v40  }
0x1db: {  	v7 =	vmul.f32 v10, v40;
	[tilespmem:v9+s23+$0x0] =	vst.idx.add.f32.msk vm2, v13  }
0x1dc: {  	v6 =	vmul.f32 v6, v40;
	[tilespmem:v39+s23+$0x0] =	vst.idx.add.f32.msk vm0, v11  }
0x1dd: {  	[tilespmem:v8+s23+$0x0] =	vst.idx.add.f32.msk vm1, v7  }
0x1de: {  	s1 =	sadd.s32 s1, s21;
	[tilespmem:v41+s23+$0x0] =	vst.idx.add.f32.msk vm3, v6  }
0x1df: {  	v42 =	vld [tilespmem:s1+$0x1E0];
	_ =	sdelay $0x4  }
0x1e0: {  	v43 =	vmul.f32 v13, v42  }
0x1e1: {  	v16 =	vmul.f32 v11, v42  }
0x1e2: {  	v44 =	vmul.f32 v7, v42;
	[tilespmem:v9+s3+$0x0] =	vst.idx.add.f32.msk vm2, v43  }
0x1e3: {  	v10 =	vmul.f32 v6, v42;
	[tilespmem:v39+s3+$0x0] =	vst.idx.add.f32.msk vm0, v16  }
0x1e4: {  	[tilespmem:v8+s3+$0x0] =	vst.idx.add.f32.msk vm1, v44  }
0x1e5: {  	[tilespmem:v41+s3+$0x0] =	vst.idx.add.f32.msk vm3, v10  }
0x1e6: {  	v10 =	vld [tilespmem:s1+$0x11E0];
	_ =	sdelay $0x4  }
0x1e7: {  	v45 =	vmul.f32 v10, v13  }
0x1e8: {  	v46 =	vmul.f32 v10, v11  }
0x1e9: {  	v47 =	vmul.f32 v10, v7;
	[tilespmem:v9+s24+$0x0] =	vst.idx.add.f32.msk vm2, v45  }
0x1ea: {  	v10 =	vmul.f32 v10, v6;
	[tilespmem:v39+s24+$0x0] =	vst.idx.add.f32.msk vm0, v46  }
0x1eb: {  	[tilespmem:v8+s24+$0x0] =	vst.idx.add.f32.msk vm1, v47  }
0x1ec: {  	[tilespmem:v41+s24+$0x0] =	vst.idx.add.f32.msk vm3, v10  }
0x1ed: {  	v10 =	vld [tilespmem:s1+$0x21E0];
	_ =	sdelay $0x4  }
0x1ee: {  	v48 =	vmul.f32 v10, v13  }
0x1ef: {  	v49 =	vmul.f32 v10, v11  }
0x1f0: {  	v50 =	vmul.f32 v10, v7;
	[tilespmem:v9+s25+$0x0] =	vst.idx.add.f32.msk vm2, v48  }
0x1f1: {  	v10 =	vmul.f32 v10, v6;
	[tilespmem:v39+s25+$0x0] =	vst.idx.add.f32.msk vm0, v49  }
0x1f2: {  	[tilespmem:v8+s25+$0x0] =	vst.idx.add.f32.msk vm1, v50  }
0x1f3: {  	[tilespmem:v41+s25+$0x0] =	vst.idx.add.f32.msk vm3, v10  }
0x1f4: {  	v10 =	vld [tilespmem:s1+$0x31E0];
	_ =	sdelay $0x4  }
0x1f5: {  	v51 =	vmul.f32 v10, v13  }
0x1f6: {  	v52 =	vmul.f32 v10, v11  }
0x1f7: {  	v53 =	vmul.f32 v10, v7;
	[tilespmem:v9+s26+$0x0] =	vst.idx.add.f32.msk vm2, v51  }
0x1f8: {  	v10 =	vmul.f32 v10, v6;
	[tilespmem:v39+s26+$0x0] =	vst.idx.add.f32.msk vm0, v52  }
0x1f9: {  	[tilespmem:v8+s26+$0x0] =	vst.idx.add.f32.msk vm1, v53  }
0x1fa: {  	[tilespmem:v41+s26+$0x0] =	vst.idx.add.f32.msk vm3, v10  }
0x1fb: {  	v10 =	vld [tilespmem:s1+$0x41E0];
	_ =	sdelay $0x4  }
0x1fc: {  	v54 =	vmul.f32 v10, v13  }
0x1fd: {  	v55 =	vmul.f32 v10, v11  }
0x1fe: {  	v56 =	vmul.f32 v10, v7;
	[tilespmem:v9+s28+$0x0] =	vst.idx.add.f32.msk vm2, v54  }
0x1ff: {  	v10 =	vmul.f32 v10, v6;
	[tilespmem:v39+s28+$0x0] =	vst.idx.add.f32.msk vm0, v55  }
0x200: {  	[tilespmem:v8+s28+$0x0] =	vst.idx.add.f32.msk vm1, v56  }
0x201: {  	[tilespmem:v41+s28+$0x0] =	vst.idx.add.f32.msk vm3, v10  }
0x202: {  	v10 =	vld [tilespmem:s1+$0x51E0];
	_ =	sdelay $0x4  }
0x203: {  	v57 =	vmul.f32 v10, v13  }
0x204: {  	v58 =	vmul.f32 v10, v11  }
0x205: {  	v59 =	vmul.f32 v10, v7;
	[tilespmem:v9+s29+$0x0] =	vst.idx.add.f32.msk vm2, v57  }
0x206: {  	v10 =	vmul.f32 v10, v6;
	[tilespmem:v39+s29+$0x0] =	vst.idx.add.f32.msk vm0, v58  }
0x207: {  	[tilespmem:v8+s29+$0x0] =	vst.idx.add.f32.msk vm1, v59  }
0x208: {  	[tilespmem:v41+s29+$0x0] =	vst.idx.add.f32.msk vm3, v10  }
0x209: {  	v10 =	vld [tilespmem:s1+$0x61E0];
	_ =	sdelay $0x4  }
0x20a: {  	v60 =	vmul.f32 v10, v13  }
0x20b: {  	v61 =	vmul.f32 v10, v11  }
0x20c: {  	v62 =	vmul.f32 v10, v7;
	[tilespmem:v9+s30+$0x0] =	vst.idx.add.f32.msk vm2, v60  }
0x20d: {  	v10 =	vmul.f32 v10, v6;
	[tilespmem:v39+s30+$0x0] =	vst.idx.add.f32.msk vm0, v61  }
0x20e: {  	[tilespmem:v8+s30+$0x0] =	vst.idx.add.f32.msk vm1, v62  }
0x20f: {  	[tilespmem:v41+s30+$0x0] =	vst.idx.add.f32.msk vm3, v10  }
0x210: {  	v10 =	vld [tilespmem:s1+$0x71E0];
	_ =	sdelay $0x4  }
0x211: {  	p1 =	sne.s32 s7, $0x40;
	v63 =	vmul.f32 v10, v13  }
.Ltmp9:
0x212: {  	v11 =	vmul.f32 v10, v11;
	(pc) =	sbr.rel @p1 .LBB2_12-.Ltmp9, $4  }
0x213: {  	v7 =	vmul.f32 v10, v7;
	[tilespmem:v9+s31+$0x0] =	vst.idx.add.f32.msk vm2, v63  }
0x214: {  	v6 =	vmul.f32 v10, v6;
	[tilespmem:v39+s31+$0x0] =	vst.idx.add.f32.msk vm0, v11  }
0x215: {  	[tilespmem:v8+s31+$0x0] =	vst.idx.add.f32.msk vm1, v7  }
0x216: {  	s17 =	sadd.s32 $0x10, s17;
	s7 =	sadd.s32 $0x40, s7;
	[tilespmem:v41+s31+$0x0] =	vst.idx.add.f32.msk vm3, v6  }
.Ltmp10:
0x217: {  	_ = 	snop;
	(pc) =	sbr.rel .LBB2_13-.Ltmp10, $1  }
0x218: {  	_ =	sdelay $0x3  }
.LBB2_15:
0x219: {  	s0 =	simm.s32 $0x10030  }
0x21a: {  	v4 =	vld [tilespmem:s0+$0xFFFFFFF0]  }
0x21b: {  	v5 =	vld [tilespmem:s0+$0xFFFFFFD0];
	_ =	sdelay $0x2  }
0x21c: {  	v6 =	vld [tilespmem:s0+$0xFFFFFFE0]  }
0x21d: {  	s1 =	simm.s32 $0x10070;
	v7 =	vld [tilespmem:s0+$0x0];
	v4 =	vadd.f32 $1.000000010e-07, v4  }
0x21e: {  	v8 =	vld [tilespmem:s1+$0xFFFFFFF0];
	v5 =	vadd.f32 $1.000000010e-07, v5  }
0x21f: {  	(erf) = vrcp.f32 v4;
	v4 =	vld [tilespmem:s1+$0xFFFFFFD0]  }
0x220: {  	(erf) = vrcp.f32 v5;
	v5 =	vld [tilespmem:s1+$0xFFFFFFE0];
	_ =	sdelay $0x1  }
0x221: {  	v9 =	vld [tilespmem:s1+$0x0];
	v6 =	vadd.f32 $1.000000010e-07, v6  }
0x222: {  	v7 =	vadd.f32 $1.000000010e-07, v7  }
0x223: {  	(erf) = vrcp.f32 v6;
	v6 =	vadd.f32 $1.000000010e-07, v8  }
0x224: {  	s2 =	simm.s32 $0x100B0;
	(erf) = vrcp.f32 v7;
	v7 =	vadd.f32 $1.000000010e-07, v4;
	v10 =	vadd.f32 $1.000000010e-07, v5  }
0x225: {  	v8 =	vld [tilespmem:s2+$0xFFFFFFF0];
	(erf) = vrcp.f32 v6  }
0x226: {  	v9 =	vadd.f32 $1.000000010e-07, v9;
	(erf) = vrcp.f32 v7  }
0x227: {  	v4 =	vld [tilespmem:s2+$0xFFFFFFD0];
	(erf) = vrcp.f32 v10  }
0x228: {  	v5 =	vld [tilespmem:s2+$0xFFFFFFE0];
	v10 =	vpop (erf);
	(erf) = vrcp.f32 v9  }
0x229: {  	v6 =	vld [tilespmem:s2+$0x0];
	[tilespmem:s0+$0xFFFFFFF0] =	vst v10  }
0x22a: {  	s4 =	simm.s32 $0x8;
	s5 =	simm.s32 $0x100F0;
	v7 =	vadd.f32 $1.000000010e-07, v8;
	v8 =	vpop (erf);
	s11 =	rddreg [dreg:$0x6]  }
.LBB2_16:
0x22b: {  	s4 =	sadd.s32 $0x4, s4  }
0x22c: {  	v9 =	vld [tilespmem:s5+$0xFFFFFFF0];
	v10 =	vadd.f32 $1.000000010e-07, v4;
	[tilespmem:s0+$0xFFFFFFD0] =	vst v8;
	v8 =	vpop (erf);
	p0 =	slt.u32 s4, $0x1FC  }
.Ltmp11:
0x22d: {  	v4 =	vld [tilespmem:s5+$0xFFFFFFD0];
	v11 =	vadd.f32 $1.000000010e-07, v5;
	(erf) = vrcp.f32 v7;
	[tilespmem:s0+$0xFFFFFFE0] =	vst v8;
	v7 =	vpop (erf);
	(pc) =	sbr.rel @p0 .LBB2_16-.Ltmp11, $4  }
0x22e: {  	v5 =	vld [tilespmem:s5+$0xFFFFFFE0];
	v12 =	vadd.f32 $1.000000010e-07, v6;
	(erf) = vrcp.f32 v10;
	[tilespmem:s0+$0x0] =	vst v7;
	s0 =	smov.u32 s1;
	s1 =	smov.u32 s2;
	s2 =	smov.u32 s5  }
0x22f: {  	v6 =	vld [tilespmem:s5+$0x0];
	(erf) = vrcp.f32 v11  }
0x230: {  	(erf) = vrcp.f32 v12;
	v8 =	vpop (erf)  }
0x231: {  	s5 =	sadd.s32 $0x40, s5;
	v7 =	vadd.f32 $1.000000010e-07, v9;
	[tilespmem:s0+$0xFFFFFFF0] =	vst v8;
	v8 =	vpop (erf)  }
0x232: {  	v4 =	vadd.f32 $1.000000010e-07, v4  }
0x233: {  	v5 =	vadd.f32 $1.000000010e-07, v5;
	(erf) = vrcp.f32 v7  }
0x234: {  	v6 =	vadd.f32 $1.000000010e-07, v6;
	(erf) = vrcp.f32 v4  }
0x235: {  	(erf) = vrcp.f32 v5  }
0x236: {  	[tilespmem:s0+$0xFFFFFFD0] =	vst v8;
	v4 =	vpop (erf);
	(erf) = vrcp.f32 v6  }
0x237: {  	v5 =	vpop (erf);
	[tilespmem:s0+$0xFFFFFFE0] =	vst v4  }
0x238: {  	[tilespmem:s0+$0x0] =	vst v5;
	v4 =	vpop (erf)  }
0x239: {  	[tilespmem:s1+$0xFFFFFFF0] =	vst v4;
	v4 =	vpop (erf)  }
0x23a: {  	[tilespmem:s1+$0xFFFFFFD0] =	vst v4;
	v4 =	vpop (erf)  }
0x23b: {  	[tilespmem:s1+$0xFFFFFFE0] =	vst v4;
	v4 =	vpop (erf)  }
0x23c: {  	[tilespmem:s1+$0x0] =	vst v4;
	v4 =	vpop (erf)  }
0x23d: {  	[tilespmem:s2+$0xFFFFFFF0] =	vst v4;
	v4 =	vpop (erf)  }
0x23e: {  	[tilespmem:s2+$0xFFFFFFD0] =	vst v4;
	v4 =	vpop (erf)  }
0x23f: {  	[tilespmem:s2+$0xFFFFFFE0] =	vst v4;
	v4 =	vpop (erf)  }
0x240: {  	[tilespmem:s2+$0x0] =	vst v4  }
0x241: {  	s0 =	rddreg [dreg:$0xf]  }
0x242: {  	s1 =	rddreg [dreg:$0x10]  }
0x243: {  	s0 =	sshll.u32 s0, $0xE;
	s1 =	sshll.u32 s1, $0xC  }
0x244: {  	s22 =	rddreg [dreg:$0x4];
	s0 =	sor.u32 s0, s1  }
0x245: {  	s0 =	sor.u32 s22, s0  }
0x246: {  	s2 =	simm.s32 $0x0;
	s1 =	simm.s32 $0x0;
	s0 =	sshll.u32 s0, $0x6  }
.LBB2_18:
0x247: {  	s6 =	simm.s32 $0x10030;
	s8 =	sshra.s32 s1, $0x2  }
0x248: {  	s4 =	sadd.s32 $0x10030, s8;
	v9 =	vld [tilespmem:s6+$0x0]  }
0x249: {  	v10 =	vld [tilespmem:s4+$0xFFFF0000]  }
0x24a: {  	v7 =	vld [tilespmem:s6+$0xFFFFFFD0]  }
0x24b: {  	v8 =	vld [tilespmem:s6+$0xFFFFFFE0]  }
0x24c: {  	v6 =	vld [tilespmem:s4+$0xFFFEFFD0]  }
0x24d: {  	s7 =	sshll.u32 s2, $0xF;
	v5 =	vld [tilespmem:s4+$0xFFFEFFE0]  }
0x24e: {  	s9 =	simm.s32 $0x0;
	s5 =	sshra.s32 s7, $0x2;
	v4 =	vld [tilespmem:s4+$0xFFFEFFF0];
	v9 =	vmul.f32 v9, v10  }
.LBB2_19:
0x24f: {  	s9 =	sadd.s32 $0x4, s9;
	v10 =	vld [tilespmem:s6+$0xFFFFFFF0];
	s6 =	sadd.s32 $0x40, s6  }
0x250: {  	s10 =	sadd.s32 s8, s6;
	v11 =	vld [tilespmem:s6+$0x0];
	p0 =	slt.u32 s9, $0x1FC;
	[tilespmem:s4+$0xFFFF0000] =	vst v9  }
0x251: {  	v9 =	vld [tilespmem:s10+$0xFFFF0000]  }
.Ltmp12:
0x252: {  	v7 =	vmul.f32 v7, v6;
	v6 =	vld [tilespmem:s10+$0xFFFEFFD0];
	(pc) =	sbr.rel @p0 .LBB2_19-.Ltmp12, $4  }
0x253: {  	v8 =	vmul.f32 v8, v5;
	v5 =	vld [tilespmem:s10+$0xFFFEFFE0]  }
0x254: {  	[tilespmem:s4+$0xFFFEFFD0] =	vst v7;
	v10 =	vmul.f32 v10, v4;
	v4 =	vld [tilespmem:s10+$0xFFFEFFF0]  }
0x255: {  	v7 =	vld [tilespmem:s6+$0xFFFFFFD0];
	[tilespmem:s4+$0xFFFEFFE0] =	vst v8  }
0x256: {  	v8 =	vld [tilespmem:s6+$0xFFFFFFE0];
	v9 =	vmul.f32 v11, v9;
	[tilespmem:s4+$0xFFFEFFF0] =	vst v10;
	s4 =	smov.u32 s10  }
0x257: {  	v10 =	vld [tilespmem:s6+$0xFFFFFFF0];
	_ =	sdelay $0x1  }
0x258: {  	s2 =	sadd.s32 $0x1, s2  }
0x259: {  	p0 =	sne.s32 s2, $0x8;
	v6 =	vmul.f32 v7, v6  }
.Ltmp13:
0x25a: {  	[tilespmem:s4+$0xFFFF0000] =	vst v9;
	v5 =	vmul.f32 v8, v5;
	(pc) =	sbr.rel @p0 .LBB2_18-.Ltmp13, $4  }
0x25b: {  	s21 =	sadd.s32 s0, s7;
	[tilespmem:s4+$0xFFFEFFD0] =	vst v6;
	v4 =	vmul.f32 v10, v4  }
0x25c: {  	s6 =	sand.u32 $0x1FFFFC00, s21;
	[tilespmem:s4+$0xFFFEFFE0] =	vst v5  }
0x25d: {  	s1 =	sadd.s32 $0x8000, s1;
	s22 =	sadd.s32 s11, s6;
	[tilespmem:s4+$0xFFFEFFF0] =	vst v4  }
0x25e: {  	[hbm4b:s22+s3] =	stream.linear.scatter [tilespmem:s5], [sflag:$0x3], $0x2000, $0x38;
	[tilespmem:$0x1F000] =	vst v63  }
0x25f: {  	s0 =	simm.s32 $0x3  }
0x260: {  	_ =	swait.ge [sflag:s0], $0x2000  }
0x261: {  	[sflag:s0] =	ssyncset.done $0x0  }
0x262: {  	[sflag:s0] =	ssyncadd.s32 $0xFFFFE000  }
0x263: {  	_ =	swait.ge [sflag:s0], $0x2000  }
0x264: {  	[sflag:s0] =	ssyncset.done $0x0  }
0x265: {  	[sflag:s0] =	ssyncadd.s32 $0xFFFFE000  }
0x266: {  	_ =	swait.ge [sflag:s0], $0x2000  }
0x267: {  	[sflag:s0] =	ssyncset.done $0x0  }
0x268: {  	[sflag:s0] =	ssyncadd.s32 $0xFFFFE000  }
0x269: {  	_ =	swait.ge [sflag:s0], $0x2000  }
0x26a: {  	[sflag:s0] =	ssyncset.done $0x0  }
0x26b: {  	[sflag:s0] =	ssyncadd.s32 $0xFFFFE000  }
0x26c: {  	_ =	swait.ge [sflag:s0], $0x2000  }
0x26d: {  	[sflag:s0] =	ssyncset.done $0x0  }
0x26e: {  	[sflag:s0] =	ssyncadd.s32 $0xFFFFE000  }
0x26f: {  	_ =	swait.ge [sflag:s0], $0x2000  }
0x270: {  	[sflag:s0] =	ssyncset.done $0x0  }
0x271: {  	[sflag:s0] =	ssyncadd.s32 $0xFFFFE000  }
0x272: {  	_ =	swait.ge [sflag:s0], $0x2000  }
0x273: {  	[sflag:s0] =	ssyncset.done $0x0  }
0x274: {  	[sflag:s0] =	ssyncadd.s32 $0xFFFFE000  }
0x275: {  	_ =	swait.ge [sflag:s0], $0x2000  }
0x276: {  	s4 =	rddreg [dreg:$0xe]  }
0x277: {  	s4 =	sadd.s32 $0x1, s4  }
0x278: {  	p0 =	sne.s32 s4, $0x8  }
.Ltmp14:
0x279: {  	_ = 	snop;
	(pc) =	sbr.rel @p0 .LBB2_2-.Ltmp14, $3  }
0x27a: {  	_ =	sdelay $0x1  }
0x27b: {  	[sflag:s0] =	ssyncset.done $0x0  }
0x27c: {  	[sflag:s0] =	ssyncadd.s32 $0xFFFFE000  }
0x27d: {  	s1 =	rddreg [dreg:$0xd]  }
0x27e: {  	s0 =	rddreg [dreg:$0xb];
	s1 =	sadd.s32 $0x1, s1  }
0x27f: {  	p0 =	sne.s32 s1, s0  }
.Ltmp15:
0x280: {  	_ = 	snop;
	(pc) =	sbr.rel @p0 .LBB2_1-.Ltmp15, $1  }
0x281: {  	_ =	sdelay $0x3  }
0x282: {  	_ =	sfence.sel $0x180000  }
0x283: {  	[bflag:$0x0] =	sbarrier.arrive $0xFFFF  }
0x284: {  	_ =	strace $0x9000004A  }
0x285: {  	s0 =	stileid.u32;
	[bflag:$0x2] =	sbarrier.arrive $0xFFFF  }
0x286: {  	p0 =	sne.s32 s0, $0x0;
	s0 =	rddreg [dreg:$0x2]  }
0x287: {  	s0 =	sadd.s32 @!p0 $0x100000, s0  }
0x288: {  	[sflag:s0] =	ssyncadd.tile.s32 @!p0 $0x1;
	_ =	shalt  }
.Lfunc_end2:
_tile_overlayer_lowered:
.L_overlay_start_2:
0x289: {  	(tag) =	ssettag $0x2  }
0x28a: {  	s0 =	rddreg [dreg:$0x0];
	s2 =	stileid.u32  }
0x28b: {  	s1 =	rddreg [dreg:$0x1];
	p0 =	sne.s32 s2, $0x0  }
0x28c: {  	s3 =	rddreg [dreg:$0x2];
	[bflag:$0x3] =	sbarrier.arrive $0xFFFF;
	s2 =	simm.s32 @!p0 $0x1C04  }
0x28d: {  	[timem:s3], [sflag:s2] =	dma.local @!p0 [hbm:s0], s1  }
0x28e: {  	s0 =	simm.s32 @!p0 $0x4  }
0x28f: {  	_ =	swait.ge @!p0 [sflag:s0], s1  }
0x290: {  	s1 =	ssub.s32 @!p0 $0x0, s1;
	[sflag:s0] =	ssyncset.done @!p0 $0x0  }
0x291: {  	[sflag:s0] =	ssyncadd.s32 @!p0 s1  }
0x292: {  	[bflag:$0x3] =	sbarrier.arrive $0xFFFF  }
0x293: {  	_ =	shalt  }

// kernel: sparse-core-data-format-call.cloned.1.call-start
scs
called_computation_lowered:
.L_overlay_start_0:
0x0: {  	s2 =	sld [smem:$0x3FD9]  }
0x1: {  	s3 =	sld [smem:$0x3FFE];
	_ =	sdelay $0x1  }
0x2: {  	s1 =	srdreg.scid  }
0x3: {  	s0 =	sand.u32 $0x1, s1  }
0x4: {  	s19 =	sshll.u32 s0, $0xA;
	s2 =	sadd.s32 s3, s2  }
0x5: {  	s2 =	sadd.s32 s2, s19  }
0x6: {  	[smem:$0x3FC5] =	sst s2  }
0x7: {  	_ = 	snop  }
0x8: {  	s2 =	sld [smem:$0x3FC9]  }
0x9: {  	s20 =	sld [smem:$0x3FD0];
	(tm) =	ssettm $0x1  }
0xa: {  	s4 =	sld [smem:$0x3FFB];
	_ =	sdelay $0x3  }
0xb: {  	_ =	strace s4  }
0xc: {  	s4 =	sld [smem:$0x3FFC];
	_ =	sdelay $0x3  }
0xd: {  	_ =	strace s4  }
0xe: {  	s4 =	sld [smem:$0x3FFD];
	_ =	sdelay $0x3  }
0xf: {  	_ =	strace s4  }
0x10: {  	_ =	strace $0x8FFFFFFF  }
0x11: {  	s21 =	sld [smem:$0x3FDB];
	_ =	sdelay $0x1  }
0x12: {  	s5 =	simm.s32 $_scs_section_size  }
0x13: {  	s6 =	simm.s32 $_size__tile_overlayer_lowered;
	s7 =	simm.s32 $_tile_overlayer_lowered  }
0x14: {  	s24 =	simm.s32 $0x1BFF;
	s23 =	sshll.u32 s7, $0x1;
	s4 =	sadd.s32 s5, s21  }
0x15: {  	s8 =	simm.s32 $0x0;
	s22 =	sshll.u32 s6, $0x1;
	s6 =	sadd.s32 s23, s4  }
0x16: {  	[timem:s8], [sflag:s24] =	dma.local [hbm:s6], s22  }
0x17: {  	_ =	swait.ge [sflag:s24], s22  }
0x18: {  	s5 =	ssub.s32 $0x0, s22;
	[sflag:s24] =	ssyncset.done $0x0  }
0x19: {  	[sflag:s24] =	ssyncadd.s32 s5;
	_ =	sdelay $0x1  }
0x1a: {  	s25 =	simm.s32 $0x1B8B  }
0x1b: {  	_ =	swait.ge [sflag:s25], $0x1  }
0x1c: {  	[sflag:s25] =	ssyncset.done $0x0  }
0x1d: {  	s26 =	simm.s32 $0x1B8E;
	[sflag:s25] =	ssyncadd.s32 $0xFFFFFFFF  }
0x1e: {  	s27 =	simm.s32 $execute0_lowered;
	[smem:$0x3FD2] =	sst s26  }
0x1f: {  	s5 =	sshll.u32 s27, $0x1;
	_ =	strace $0x80000046;
	[dreg:$0x1] =	wrdreg $0xFFFFFFFF  }
0x20: {  	s28 =	simm.s32 $_size_execute0_lowered;
	s4 =	sadd.s32 s4, s5;
	[dreg:$0x0] =	wrdreg $0x0  }
0x21: {  	s5 =	sshll.u32 s28, $0x1;
	[dreg:$0x2] =	wrdreg s4  }
0x22: {  	[dreg:$0x3] =	wrdreg s5  }
0x23: {  	[dreg:$0x4] =	wrdreg $0xC0  }
0x24: {  	_ =	task [dreg:s8], $0x5FFFF  }
0x25: {  	[dreg:$0x1] =	wrdreg $0xFFFFFFFF  }
0x26: {  	[dreg:$0x0] =	wrdreg $0x60  }
0x27: {  	[dreg:$0x2] =	wrdreg s2  }
0x28: {  	[dreg:$0x3] =	wrdreg s20  }
0x29: {  	[dreg:$0x4] =	wrdreg $0x9  }
0x2a: {  	_ =	task.clear_ibuf [dreg:s8], $0x5FFFF;
	_ =	strace $0x90000046  }
0x2b: {  	s29 =	simm.s32 $0x9;
	_ =	strace $0x80000048  }
0x2c: {  	_ =	swait.ge [sflag:s29], $0x1  }
0x2d: {  	[sflag:s29] =	ssyncadd.s32 $0xFFFFFFFF  }
0x2e: {  	_ =	strace $0x90000048  }
0x2f: {  	_ =	sfence  }
0x30: {  	s30 =	sld [smem:$0x0];
	_ =	sdelay $0x2  }
0x31: {  	s31 =	sshll.u32 s1, $0xD;
	s1 =	sshrl.u32 s1, $0x2  }
0x32: {  	s3 =	sand.u32 $0x4000, s31;
	s1 =	sadd.s32 s1, s30  }
0x33: {  	s0 =	sor.u32 s3, s0;
	s1 =	sshll.u32 s1, $0x11  }
0x34: {  	s0 =	sor.u32 s1, s0  }
0x35: {  	s0 =	sadd.s32 $0x8F2B, s0  }
0x36: {  	[sflag:s0] =	ssyncadd.remote.s32 $0x1  }
0x37: {  	_ =	sfence.sel $0xFFFF  }
0x38: {  	[dreg:$0x0] =	wrdreg $0xFFFFFFFF;
	(pc) =	sbr.abs _section_cstart, $3  }
0x39: {  	[dreg:$0x1] =	wrdreg $0xFFFFFFFF  }
0x3a: {  	_ =	task.clear_ibuf [dreg:s8], $0x2FFFF;
	_ =	strace $0x9FFFFFFF  }
0x3b: {  	(tm) =	ssettm $0x7FFFFFFF  }
tec
execute0_lowered:
.L_overlay_start_1:
0x0: {  	(tag) =	ssettag $0x1  }
0x1: {  	s0 =	srdreg.scid  }
0x2: {  	s1 =	sshll.u32 s0, $0x4  }
0x3: {  	s2 =	rddreg [dreg:$0x0];
	s0 =	stileid.u32;
	s1 =	sand.u32 $0x10, s1  }
0x4: {  	s4 =	rddreg [dreg:$0x1];
	s1 =	sor.u32 s0, s1  }
0x5: {  	s7 =	simm.s32 $0x1;
	s8 =	simm.s32 $0x2;
	s3 =	sshll.u32 s1, $0x2  }
0x6: {  	s9 =	simm.s32 $0x0;
	s12 =	simm.s32 $0x0;
	s6 =	ssub.s32 $0x1000, s3  }
.Ltmp0:
0x7: {  	s11 =	simm.s32 $0x0;
	s5 =	sand.u32 $0x7C, s6;
	(pc) =	sbr.rel .LBB1_1-.Ltmp0, $4  }
0x8: {  	s1 =	rddreg [dreg:$0x2];
	_ =	strace $0x80000047;
	p0 =	sne.s32 s5, $0x0  }
0x9: {  	s6 =	sshrl.u32 s6, $0x7;
	s5 =	simm.s32 $0x1;
	s7 =	simm.s32 @!p0 $0x0  }
0xa: {  	s10 =	smov.u32 s3;
	[sflag:s5] =	ssyncpa.u1 $0x0;
	s6 =	sadd.s32 s7, s6  }
0xb: {  	[sflag:s8] =	ssyncpa.u1 $0x0;
	s8 =	simm.s32 $0x0;
	s7 =	sadd.s32 $0x1, s6  }
.LBB1_9:
0xc: {  	s14 =	sadd.s32 $0x80, s10  }
0xd: {  	p1 =	sgt.s32 s14, $0xFFF  }
0xe: {  	s14 =	smov.u32 @p1 s3;
	p1 =	sne.s32 s11, s7  }
.Ltmp1:
0xf: {  	p0 =	slt.u32 s11, $0x2;
	(pc) =	sbr.rel @!p1 .LBB1_10-.Ltmp1, $4  }
0x10: {  	s13 =	simm.s32 @!p0 $0x2  }
0x11: {  	s15 =	sadd.s32 $0x1, s11;
	_ =	swait.ge @!p0 [sflag:s13], $0x4000  }
0x12: {  	s12 =	smov.u32 s10;
	s9 =	sadd.s32 $0x4000, s9;
	[sflag:s13] =	ssyncset.done @!p0 $0x0  }
0x13: {  	s11 =	smov.u32 s15;
	s10 =	smov.u32 s14;
	[sflag:s13] =	ssyncadd.s32 @!p0 $0xFFFFC000  }
.LBB1_1:
0x14: {  	p0 =	sge.u32 s11, s6  }
0x15: {  	s13 =	sxor.u32 @!p0 $0xFFFFFFFF, s11  }
0x16: {  	s31 =	sadd.s32 $0xFFFFFFFF, s11;
	s14 =	sshll.u32 @!p0 s10, $0x9;
	s13 =	sshll.u32 @!p0 s13, $0xE  }
0x17: {  	s15 =	simm.s32 @!p0 $0x0;
	s14 =	sadd.s32 @!p0 s2, s14;
	s13 =	sand.u32 @!p0 $0x4000, s13  }
0x18: {  	[tilespmem:s13], [sflag:$0x1] =	stream.linear.gather @!p0 [hbm4b:s14+s15], $0x4000, $0x38;
	[tilespmem:$0x10000] =	vst v63  }
0x19: {  	p0 =	sge.u32 s31, s6  }
.Ltmp2:
0x1a: {  	_ = 	snop;
	(pc) =	sbr.rel @p0 .LBB1_9-.Ltmp2, $1  }
0x1b: {  	_ =	sdelay $0x3  }
0x1c: {  	s14 =	sand.u32 $0x4000, s9  }
0x1d: {  	_ =	swait.ge [sflag:s5], $0x4000;
	s15 =	sshll.u32 s11, $0xE;
	s16 =	simm.s32 $0x0  }
0x1e: {  	s13 =	sor.u32 $0x40, s14;
	[sflag:s5] =	ssyncset.done $0x0;
	s15 =	sand.u32 $0x4000, s15  }
0x1f: {  	s14 =	sor.u32 $0x8040, s14;
	[sflag:s5] =	ssyncadd.s32 $0xFFFFC000;
	s15 =	sor.u32 $0x8000, s15  }
.LBB1_3:
0x20: {  	s17 =	smov.u32 s14;
	s18 =	smov.u32 s13;
	s19 =	simm.s32 $0x0  }
.LBB1_4:
0x21: {  	v0 =	vmov s17;
	v2 =	vld [tilespmem:s18+$0x30]  }
0x22: {  	v4 =	vld [tilespmem:s18+$0xFFFFFFD0]  }
0x23: {  	v6 =	vld [tilespmem:s18+$0xFFFFFFE0]  }
0x24: {  	v7 =	vld [tilespmem:s18+$0xFFFFFFF0]  }
0x25: {  	s20 =	simm.s32 $0x0;
	v1 =	vld [tilespmem:s18+$0x0]  }
0x26: {  	v3 =	vld [tilespmem:s18+$0x10];
	[tilespmem:v0+s20+$0x30 ss:$0x1] =	vst.idx.msk $0xffff, v2  }
0x27: {  	v5 =	vld [tilespmem:s18+$0x20];
	[tilespmem:v0+s20+$0xFFFFFFD0 ss:$0x1] =	vst.idx.msk $0xffff, v4  }
0x28: {  	s21 =	sadd.s32 $0x80, s18;
	v2 =	vld [tilespmem:s18+$0xFFFFFFC0];
	[tilespmem:v0+s20+$0xFFFFFFE0 ss:$0x1] =	vst.idx.msk $0xffff, v6  }
0x29: {  	s22 =	simm.s32 $0x800;
	s23 =	simm.s32 $0x1000;
	v4 =	vld [tilespmem:s21+$0x30];
	[tilespmem:v0+s20+$0xFFFFFFF0 ss:$0x1] =	vst.idx.msk $0xffff, v7  }
.LBB1_5:
0x2a: {  	p0 =	sne.s32 s23, $0x3800;
	v6 =	vld [tilespmem:s21+$0xFFFFFFD0];
	[tilespmem:v0+s20+$0x0 ss:$0x1] =	vst.idx.msk $0xffff, v1  }
0x2b: {  	v7 =	vld [tilespmem:s21+$0xFFFFFFE0];
	[tilespmem:v0+s20+$0x10 ss:$0x1] =	vst.idx.msk $0xffff, v3  }
0x2c: {  	v8 =	vld [tilespmem:s21+$0xFFFFFFF0];
	[tilespmem:v0+s20+$0x20 ss:$0x1] =	vst.idx.msk $0xffff, v5  }
.Ltmp3:
0x2d: {  	v1 =	vld [tilespmem:s21+$0x0];
	[tilespmem:v0+s20+$0xFFFFFFC0 ss:$0x1] =	vst.idx.msk $0xffff, v2;
	s20 =	sshra.s32 s22, $0x2;
	s22 =	smov.u32 s23;
	(pc) =	sbr.rel @p0 .LBB1_5-.Ltmp3, $4  }
0x2e: {  	v3 =	vld [tilespmem:s21+$0x10];
	[tilespmem:v0+s20+$0x30 ss:$0x1] =	vst.idx.msk $0xffff, v4  }
0x2f: {  	[tilespmem:v0+s20+$0xFFFFFFD0 ss:$0x1] =	vst.idx.msk $0xffff, v6;
	v5 =	vld [tilespmem:s21+$0x20]  }
0x30: {  	v2 =	vld [tilespmem:s21+$0xFFFFFFC0];
	[tilespmem:v0+s20+$0xFFFFFFE0 ss:$0x1] =	vst.idx.msk $0xffff, v7;
	s21 =	sadd.s32 $0x80, s21  }
0x31: {  	s23 =	sadd.s32 $0x800, s23;
	v4 =	vld [tilespmem:s21+$0x30];
	[tilespmem:v0+s20+$0xFFFFFFF0 ss:$0x1] =	vst.idx.msk $0xffff, v8  }
0x32: {  	_ =	sdelay $0x3  }
0x33: {  	v6 =	vld [tilespmem:s21+$0xFFFFFFD0];
	[tilespmem:v0+s20+$0x0 ss:$0x1] =	vst.idx.msk $0xffff, v1  }
0x34: {  	v58 =	vld [tilespmem:s21+$0xFFFFFFE0];
	[tilespmem:v0+s20+$0x10 ss:$0x1] =	vst.idx.msk $0xffff, v3  }
0x35: {  	v59 =	vld [tilespmem:s21+$0xFFFFFFF0];
	[tilespmem:v0+s20+$0x20 ss:$0x1] =	vst.idx.msk $0xffff, v5  }
0x36: {  	s22 =	sshra.s32 s22, $0x2;
	v60 =	vld [tilespmem:s21+$0x0];
	[tilespmem:v0+s20+$0xFFFFFFC0 ss:$0x1] =	vst.idx.msk $0xffff, v2  }
0x37: {  	v61 =	vld [tilespmem:s21+$0x10];
	[tilespmem:v0+s22+$0x30 ss:$0x1] =	vst.idx.msk $0xffff, v4  }
0x38: {  	v62 =	vld [tilespmem:s21+$0x20];
	s19 =	sadd.s32 $0x1, s19;
	[tilespmem:v0+s22+$0xFFFFFFD0 ss:$0x1] =	vst.idx.msk $0xffff, v6  }
0x39: {  	v63 =	vld [tilespmem:s21+$0xFFFFFFC0];
	p0 =	sne.s32 s19, $0x4;
	[tilespmem:v0+s22+$0xFFFFFFE0 ss:$0x1] =	vst.idx.msk $0xffff, v58  }
.Ltmp4:
0x3a: {  	[tilespmem:v0+s22+$0xFFFFFFF0 ss:$0x1] =	vst.idx.msk $0xffff, v59;
	(pc) =	sbr.rel @p0 .LBB1_4-.Ltmp4, $4  }
0x3b: {  	[tilespmem:v0+s22+$0x0 ss:$0x1] =	vst.idx.msk $0xffff, v60  }
0x3c: {  	[tilespmem:v0+s22+$0x10 ss:$0x1] =	vst.idx.msk $0xffff, v61  }
0x3d: {  	[tilespmem:v0+s22+$0x20 ss:$0x1] =	vst.idx.msk $0xffff, v62  }
0x3e: {  	s18 =	sadd.s32 $0x400, s18;
	s17 =	sadd.s32 $0x80, s17;
	[tilespmem:v0+s22+$0xFFFFFFC0 ss:$0x1] =	vst.idx.msk $0xffff, v63  }
0x3f: {  	s16 =	sadd.s32 $0x1, s16  }
0x40: {  	p0 =	sne.s32 s16, $0x4  }
.Ltmp5:
0x41: {  	_ = 	snop;
	(pc) =	sbr.rel @p0 .LBB1_3-.Ltmp5, $2  }
0x42: {  	_ =	sdelay $0x2  }
0x43: {  	s13 =	sadd.s32 $0x1000, s13;
	s14 =	sadd.s32 $0x1000, s14  }
.Ltmp6:
0x44: {  	(pc) =	sbr.rel .LBB1_9-.Ltmp6, $4  }
0x45: {  	_ = 	snop  }
0x46: {  	s12 =	sshll.u32 s12, $0x9  }
0x47: {  	s12 =	sadd.s32 s4, s12  }
0x48: {  	[hbm4b:s12+s8] =	stream.linear.scatter [tilespmem:s15], [sflag:$0x2], $0x4000, $0x38;
	[tilespmem:$0x10000] =	vst v63  }
.LBB1_10:
0x49: {  	_ =	sfence.sel $0x180000  }
0x4a: {  	s2 =	simm.s32 $0x1;
	[bflag:$0x0] =	sbarrier.arrive $0xFFFF  }
0x4b: {  	s31 =	simm.s32 $0x2;
	[sflag:s2] =	ssyncpa.u1 $0x1  }
0x4c: {  	[sflag:s31] =	ssyncpa.u1 $0x1  }
0x4d: {  	p0 =	sne.s32 s0, $0x0;
	_ =	strace $0x90000047  }
0x4e: {  	s0 =	sadd.s32 @!p0 $0x100000, s1;
	[bflag:$0x2] =	sbarrier.arrive $0xFFFF  }
0x4f: {  	[sflag:s0] =	ssyncadd.tile.s32 @!p0 $0x1;
	_ =	shalt  }
.Lfunc_end1:
_tile_overlayer_lowered:
.L_overlay_start_2:
0x50: {  	(tag) =	ssettag $0x2  }
0x51: {  	s0 =	rddreg [dreg:$0x0];
	s2 =	stileid.u32  }
0x52: {  	s1 =	rddreg [dreg:$0x1];
	p0 =	sne.s32 s2, $0x0  }
0x53: {  	s3 =	rddreg [dreg:$0x2];
	[bflag:$0x3] =	sbarrier.arrive $0xFFFF;
	s2 =	simm.s32 @!p0 $0x1C01  }
0x54: {  	[timem:s3], [sflag:s2] =	dma.local @!p0 [hbm:s0], s1  }
0x55: {  	s0 =	simm.s32 @!p0 $0x1  }
0x56: {  	_ =	swait.ge @!p0 [sflag:s0], s1  }
0x57: {  	s1 =	ssub.s32 @!p0 $0x0, s1;
	[sflag:s0] =	ssyncset.done @!p0 $0x0  }
0x58: {  	[sflag:s0] =	ssyncadd.s32 @!p0 s1  }
0x59: {  	[bflag:$0x3] =	sbarrier.arrive $0xFFFF  }
0x5a: {  	_ =	shalt  }

</sc_bundles>
